<compile_context>
chip_gen: v7x
topology: tpu7x:2x2x1
jax: 0.10.2.dev20260603
libtpu: 0.0.44.dev20260713+nightly
codegen_flags: <defaults>
</compile_context>

<pallas_src>
import functools

import jax
import jax.numpy as jnp
from jax import lax
from jax.experimental import pallas as pl
from jax.experimental.pallas import tpu as pltpu
from jax.experimental.pallas import tpu_sc as plsc

EMB_DIM = 64
CHUNK = 128
K = 5


@functools.lru_cache(maxsize=None)
def _make_kernel(B: int):
    info = plsc.get_sparse_core_info()
    NC, NS = info.num_cores, info.num_subcores
    NW = NC * NS
    n_chunks = B // CHUNK
    assert n_chunks * CHUNK == B and n_chunks % (NW * 2 * K) == 0
    chunks_per_w = n_chunks // NW
    n_pairs = chunks_per_w // (2 * K)

    mesh = plsc.VectorSubcoreMesh(core_axis_name="c", subcore_axis_name="s")

    @functools.partial(
        pl.kernel,
        out_type=jax.ShapeDtypeStruct((B, EMB_DIM), jnp.float32),
        mesh=mesh,
        scratch_types=[
            pltpu.VMEM((chunks_per_w, CHUNK), jnp.int32),
            pltpu.VMEM((2 * K, CHUNK, EMB_DIM), jnp.float32),
            pltpu.SemaphoreType.DMA,
            pltpu.SemaphoreType.DMA,
            pltpu.SemaphoreType.DMA,
            pltpu.SemaphoreType.DMA,
        ],
        compiler_params=pltpu.CompilerParams(use_tc_tiling_on_sc=False),
    )
    def k(idx_hbm, table_hbm, out_hbm, idx_v, rows_v, gsA, gsB, ssA, ssB):
        wid = lax.axis_index("s") * NC + lax.axis_index("c")
        base_chunk = wid * chunks_per_w
        pltpu.sync_copy(idx_hbm.at[pl.ds(base_chunk, chunks_per_w)], idx_v)

        def fire_gathers(half, j0, sem):
            for b in range(K):
                pltpu.async_copy(
                    table_hbm.at[idx_v.at[j0 + b]], rows_v.at[half * K + b], sem
                )

        def drain_gathers(half, sem):
            for b in range(K):
                pltpu.make_async_copy(
                    table_hbm.at[idx_v.at[0]], rows_v.at[half * K + b], sem
                ).wait()

        def fire_scatters(half, j0, sem):
            for b in range(K):
                pltpu.async_copy(
                    rows_v.at[half * K + b],
                    out_hbm.at[pl.ds((base_chunk + j0 + b) * CHUNK, CHUNK)],
                    sem,
                )

        def drain_scatters(half, sem):
            for b in range(K):
                pltpu.make_async_copy(
                    rows_v.at[half * K + b],
                    out_hbm.at[pl.ds(0, CHUNK)],
                    sem,
                ).wait()

        fire_gathers(0, 0, gsA)

        def body(p, carry):
            jA = p * 2 * K
            jB = jA + K

            @pl.when(p > 0)
            def _():
                drain_scatters(1, ssB)

            fire_gathers(1, jB, gsB)
            drain_gathers(0, gsA)
            fire_scatters(0, jA, ssA)

            @pl.when(p < n_pairs - 1)
            def _():
                drain_scatters(0, ssA)
                fire_gathers(0, jA + 2 * K, gsA)

            drain_gathers(1, gsB)
            fire_scatters(1, jB, ssB)
            return carry

        lax.fori_loop(0, n_pairs, body, 0)
        drain_scatters(0, ssA)
        drain_scatters(1, ssB)

    return k


def kernel(token_ids, E):
    B = token_ids.size
    R, C = token_ids.shape
    idx2d = token_ids.T.reshape(B // CHUNK, CHUNK).astype(jnp.int32)
    out = _make_kernel(B)(idx2d, E)
    return out.reshape(C, R, EMB_DIM).transpose(1, 0, 2)

# --- scband reference (transcript-rebuilt; emitter-appended) ---
"""Pipeline reference for scband-embedding-11227044512272 (READ-ONLY COPY).

The authoritative reference and input builder live on the scoring server;
editing this copy changes nothing except your own understanding.
"""

import jax, jax.numpy as jnp
import numpy as np
import math

NUM_EMBEDDINGS = 1000000
EMBEDDING_DIM = 64

def setup_inputs(seed: int = 0) -> dict:
    key = jax.random.key(seed)
    k_idx, k_tab = jax.random.split(key)
    token_ids = jax.random.randint(k_idx, (16384, 50), 0, NUM_EMBEDDINGS, dtype=jnp.int64 if jax.config.jax_enable_x64 else jnp.int32)
    sigma = math.sqrt(2.0 / (NUM_EMBEDDINGS + EMBEDDING_DIM))
    # truncated normal in [-3*sigma, 3*sigma] with std sigma
    E = sigma * jax.random.truncated_normal(k_tab, -3.0, 3.0, (NUM_EMBEDDINGS, EMBEDDING_DIM), dtype=jnp.float32)
    return {"token_ids": token_ids, "E": E}

def reference(token_ids, E):
    # Faithful to: return self.E[token_ids.long()]
    return jnp.take(E, token_ids.astype(jnp.int32), axis=0)

if __name__ == "__main__":
    import jax
    _d = setup_inputs()
    print(jax.jit(kernel)(*tuple(_d.values())))

</pallas_src>

<mosaic_0001>
#map = affine_map<(d0, d1) -> (0, 0)>
module attributes {stable_mosaic.version = 14 : i64} {
  func.func @k(%arg0: i32, %arg1: i32, %arg2: memref<6400x128xi32, #tpu.memory_space<hbm>>, %arg3: memref<1000000x64xf32, #tpu.memory_space<hbm>>, %arg4: memref<819200x64xf32, #tpu.memory_space<hbm>>, %arg5: memref<200x128xi32, #tpu.memory_space<vmem>>, %arg6: memref<10x128x64xf32, #tpu.memory_space<vmem>>, %arg7: memref<!tpu.dma_semaphore, #tpu.memory_space<semaphore_mem>>, %arg8: memref<!tpu.dma_semaphore, #tpu.memory_space<semaphore_mem>>, %arg9: memref<!tpu.dma_semaphore, #tpu.memory_space<semaphore_mem>>, %arg10: memref<!tpu.dma_semaphore, #tpu.memory_space<semaphore_mem>>) attributes {dimension_semantics = [#tpu.dimension_semantics<core_parallel>, #tpu.dimension_semantics<subcore_parallel>], iteration_bounds = array<i64: 2, 16>, scalar_prefetch = 0 : i64, scratch_operands = 6 : i64, tpu.core_type = #tpu.core_type<sc_vector_subcore>, window_params = [{transform_indices = #map}, {transform_indices = #map}, {transform_indices = #map}]} {
    %mul3A = arith.constant 2 : i32
    %mul3A_0 = arith.muli %arg1, %mul3A : i32
    %add3A = arith.addi %mul3A_0, %arg0 : i32
    %mul3A_1 = arith.constant 200 : i32
    %mul3A_2 = arith.muli %add3A, %mul3A_1 : i32
    "tpu.region"() ({
      %run_scoped3A = tpu.sem_alloc : memref<!tpu.dma_semaphore, #tpu.memory_space<semaphore_mem>>
      %dma_start3A_216 = arith.constant 0 : i32
      %dma_start3A_217 = tpu.memref_slice %arg2[%mul3A_2, %dma_start3A_216] : memref<6400x128xi32, #tpu.memory_space<hbm>> -> memref<200x128xi32, #tpu.memory_space<hbm>>
      %dma_start3A_218 = arith.constant 0 : i32
      %dma_start3A_219 = tpu.memref_slice %arg2[%mul3A_2, %dma_start3A_218] : memref<6400x128xi32, #tpu.memory_space<hbm>> -> memref<200x128xi32, #tpu.memory_space<hbm>>
      tpu.enqueue_dma source(%dma_start3A_219 : memref<200x128xi32, #tpu.memory_space<hbm>>) target(%arg5 : memref<200x128xi32, #tpu.memory_space<vmem>>) target_semaphore(%run_scoped3A : memref<!tpu.dma_semaphore, #tpu.memory_space<semaphore_mem>>)
      %dma_wait3A_220 = arith.constant 0 : i32
      %dma_wait3A_221 = tpu.memref_slice %arg2[%mul3A_2, %dma_wait3A_220] : memref<6400x128xi32, #tpu.memory_space<hbm>> -> memref<200x128xi32, #tpu.memory_space<hbm>>
      %dma_wait3A_222 = arith.constant 0 : i32
      %dma_wait3A_223 = tpu.memref_slice %arg2[%mul3A_2, %dma_wait3A_222] : memref<6400x128xi32, #tpu.memory_space<hbm>> -> memref<200x128xi32, #tpu.memory_space<hbm>>
      tpu.wait_dma2 semaphore(%run_scoped3A : memref<!tpu.dma_semaphore, #tpu.memory_space<semaphore_mem>>) src(%dma_wait3A_223 : memref<200x128xi32, #tpu.memory_space<hbm>>) dst(%arg5 : memref<200x128xi32, #tpu.memory_space<vmem>>)
      tpu.yield
    }) : () -> ()
    %dma_start3A = arith.constant 0 : i32
    %dma_start3A_3 = arith.constant 0 : i32
    %dma_start3A_4 = arith.constant 0 : i32
    %dma_start3A_5 = arith.constant 0 : i32
    %dma_start3A_6 = tpu.memref_slice %arg6[%dma_start3A_3, %dma_start3A_4, %dma_start3A_5] : memref<10x128x64xf32, #tpu.memory_space<vmem>> -> memref<1x128x64xf32, #tpu.memory_space<vmem>>
    %dma_start3A_7 = tpu.memref_squeeze %dma_start3A_6 : memref<1x128x64xf32, #tpu.memory_space<vmem>> -> memref<128x64xf32, #tpu.memory_space<vmem>>
    %dma_start3A_8 = arith.constant 0 : i32
    %dma_start3A_9 = tpu.memref_slice %arg5[%dma_start3A, %dma_start3A_8] : memref<200x128xi32, #tpu.memory_space<vmem>> -> memref<1x128xi32, #tpu.memory_space<vmem>>
    %dma_start3A_10 = tpu.memref_squeeze %dma_start3A_9 : memref<1x128xi32, #tpu.memory_space<vmem>> -> memref<128xi32, #tpu.memory_space<vmem>>
    %dma_start3A_11 = arith.constant 0 : i32
    %dma_start3A_12 = arith.constant 0 : i32
    %dma_start3A_13 = tpu.memref_slice %arg3[%dma_start3A_11, %dma_start3A_12] : memref<1000000x64xf32, #tpu.memory_space<hbm>> -> memref<1000000x64xf32, #tpu.memory_space<hbm>>
    tpu.enqueue_indirect_dma source(%dma_start3A_13 : memref<1000000x64xf32, #tpu.memory_space<hbm>>) target(%dma_start3A_7 : memref<128x64xf32, #tpu.memory_space<vmem>>) offsets(%dma_start3A_10 : memref<128xi32, #tpu.memory_space<vmem>>) semaphore(%arg7 : memref<!tpu.dma_semaphore, #tpu.memory_space<semaphore_mem>>)
    %dma_start3A_14 = arith.constant 1 : i32
    %dma_start3A_15 = arith.constant 1 : i32
    %dma_start3A_16 = arith.constant 0 : i32
    %dma_start3A_17 = arith.constant 0 : i32
    %dma_start3A_18 = tpu.memref_slice %arg6[%dma_start3A_15, %dma_start3A_16, %dma_start3A_17] : memref<10x128x64xf32, #tpu.memory_space<vmem>> -> memref<1x128x64xf32, #tpu.memory_space<vmem>>
    %dma_start3A_19 = tpu.memref_squeeze %dma_start3A_18 : memref<1x128x64xf32, #tpu.memory_space<vmem>> -> memref<128x64xf32, #tpu.memory_space<vmem>>
    %dma_start3A_20 = arith.constant 0 : i32
    %dma_start3A_21 = tpu.memref_slice %arg5[%dma_start3A_14, %dma_start3A_20] : memref<200x128xi32, #tpu.memory_space<vmem>> -> memref<1x128xi32, #tpu.memory_space<vmem>>
    %dma_start3A_22 = tpu.memref_squeeze %dma_start3A_21 : memref<1x128xi32, #tpu.memory_space<vmem>> -> memref<128xi32, #tpu.memory_space<vmem>>
    %dma_start3A_23 = arith.constant 0 : i32
    %dma_start3A_24 = arith.constant 0 : i32
    %dma_start3A_25 = tpu.memref_slice %arg3[%dma_start3A_23, %dma_start3A_24] : memref<1000000x64xf32, #tpu.memory_space<hbm>> -> memref<1000000x64xf32, #tpu.memory_space<hbm>>
    tpu.enqueue_indirect_dma source(%dma_start3A_25 : memref<1000000x64xf32, #tpu.memory_space<hbm>>) target(%dma_start3A_19 : memref<128x64xf32, #tpu.memory_space<vmem>>) offsets(%dma_start3A_22 : memref<128xi32, #tpu.memory_space<vmem>>) semaphore(%arg7 : memref<!tpu.dma_semaphore, #tpu.memory_space<semaphore_mem>>)
    %dma_start3A_26 = arith.constant 2 : i32
    %dma_start3A_27 = arith.constant 2 : i32
    %dma_start3A_28 = arith.constant 0 : i32
    %dma_start3A_29 = arith.constant 0 : i32
    %dma_start3A_30 = tpu.memref_slice %arg6[%dma_start3A_27, %dma_start3A_28, %dma_start3A_29] : memref<10x128x64xf32, #tpu.memory_space<vmem>> -> memref<1x128x64xf32, #tpu.memory_space<vmem>>
    %dma_start3A_31 = tpu.memref_squeeze %dma_start3A_30 : memref<1x128x64xf32, #tpu.memory_space<vmem>> -> memref<128x64xf32, #tpu.memory_space<vmem>>
    %dma_start3A_32 = arith.constant 0 : i32
    %dma_start3A_33 = tpu.memref_slice %arg5[%dma_start3A_26, %dma_start3A_32] : memref<200x128xi32, #tpu.memory_space<vmem>> -> memref<1x128xi32, #tpu.memory_space<vmem>>
    %dma_start3A_34 = tpu.memref_squeeze %dma_start3A_33 : memref<1x128xi32, #tpu.memory_space<vmem>> -> memref<128xi32, #tpu.memory_space<vmem>>
    %dma_start3A_35 = arith.constant 0 : i32
    %dma_start3A_36 = arith.constant 0 : i32
    %dma_start3A_37 = tpu.memref_slice %arg3[%dma_start3A_35, %dma_start3A_36] : memref<1000000x64xf32, #tpu.memory_space<hbm>> -> memref<1000000x64xf32, #tpu.memory_space<hbm>>
    tpu.enqueue_indirect_dma source(%dma_start3A_37 : memref<1000000x64xf32, #tpu.memory_space<hbm>>) target(%dma_start3A_31 : memref<128x64xf32, #tpu.memory_space<vmem>>) offsets(%dma_start3A_34 : memref<128xi32, #tpu.memory_space<vmem>>) semaphore(%arg7 : memref<!tpu.dma_semaphore, #tpu.memory_space<semaphore_mem>>)
    %dma_start3A_38 = arith.constant 3 : i32
    %dma_start3A_39 = arith.constant 3 : i32
    %dma_start3A_40 = arith.constant 0 : i32
    %dma_start3A_41 = arith.constant 0 : i32
    %dma_start3A_42 = tpu.memref_slice %arg6[%dma_start3A_39, %dma_start3A_40, %dma_start3A_41] : memref<10x128x64xf32, #tpu.memory_space<vmem>> -> memref<1x128x64xf32, #tpu.memory_space<vmem>>
    %dma_start3A_43 = tpu.memref_squeeze %dma_start3A_42 : memref<1x128x64xf32, #tpu.memory_space<vmem>> -> memref<128x64xf32, #tpu.memory_space<vmem>>
    %dma_start3A_44 = arith.constant 0 : i32
    %dma_start3A_45 = tpu.memref_slice %arg5[%dma_start3A_38, %dma_start3A_44] : memref<200x128xi32, #tpu.memory_space<vmem>> -> memref<1x128xi32, #tpu.memory_space<vmem>>
    %dma_start3A_46 = tpu.memref_squeeze %dma_start3A_45 : memref<1x128xi32, #tpu.memory_space<vmem>> -> memref<128xi32, #tpu.memory_space<vmem>>
    %dma_start3A_47 = arith.constant 0 : i32
    %dma_start3A_48 = arith.constant 0 : i32
    %dma_start3A_49 = tpu.memref_slice %arg3[%dma_start3A_47, %dma_start3A_48] : memref<1000000x64xf32, #tpu.memory_space<hbm>> -> memref<1000000x64xf32, #tpu.memory_space<hbm>>
    tpu.enqueue_indirect_dma source(%dma_start3A_49 : memref<1000000x64xf32, #tpu.memory_space<hbm>>) target(%dma_start3A_43 : memref<128x64xf32, #tpu.memory_space<vmem>>) offsets(%dma_start3A_46 : memref<128xi32, #tpu.memory_space<vmem>>) semaphore(%arg7 : memref<!tpu.dma_semaphore, #tpu.memory_space<semaphore_mem>>)
    %dma_start3A_50 = arith.constant 4 : i32
    %dma_start3A_51 = arith.constant 4 : i32
    %dma_start3A_52 = arith.constant 0 : i32
    %dma_start3A_53 = arith.constant 0 : i32
    %dma_start3A_54 = tpu.memref_slice %arg6[%dma_start3A_51, %dma_start3A_52, %dma_start3A_53] : memref<10x128x64xf32, #tpu.memory_space<vmem>> -> memref<1x128x64xf32, #tpu.memory_space<vmem>>
    %dma_start3A_55 = tpu.memref_squeeze %dma_start3A_54 : memref<1x128x64xf32, #tpu.memory_space<vmem>> -> memref<128x64xf32, #tpu.memory_space<vmem>>
    %dma_start3A_56 = arith.constant 0 : i32
    %dma_start3A_57 = tpu.memref_slice %arg5[%dma_start3A_50, %dma_start3A_56] : memref<200x128xi32, #tpu.memory_space<vmem>> -> memref<1x128xi32, #tpu.memory_space<vmem>>
    %dma_start3A_58 = tpu.memref_squeeze %dma_start3A_57 : memref<1x128xi32, #tpu.memory_space<vmem>> -> memref<128xi32, #tpu.memory_space<vmem>>
    %dma_start3A_59 = arith.constant 0 : i32
    %dma_start3A_60 = arith.constant 0 : i32
    %dma_start3A_61 = tpu.memref_slice %arg3[%dma_start3A_59, %dma_start3A_60] : memref<1000000x64xf32, #tpu.memory_space<hbm>> -> memref<1000000x64xf32, #tpu.memory_space<hbm>>
    tpu.enqueue_indirect_dma source(%dma_start3A_61 : memref<1000000x64xf32, #tpu.memory_space<hbm>>) target(%dma_start3A_55 : memref<128x64xf32, #tpu.memory_space<vmem>>) offsets(%dma_start3A_58 : memref<128xi32, #tpu.memory_space<vmem>>) semaphore(%arg7 : memref<!tpu.dma_semaphore, #tpu.memory_space<semaphore_mem>>)
    %scan3A = arith.constant 0 : i32
    %scan3A_62 = arith.constant 0 : i32
    %scan3A_63 = arith.constant 20 : i32
    %scan3A_64 = arith.addi %scan3A_62, %scan3A_63 : i32
    %scan3A_65 = arith.constant 1 : i32
    scf.for %scan3A_216 = %scan3A_62 to %scan3A_64 step %scan3A_65  : i32 {
      %mul3A_217 = arith.constant 2 : i32
      %mul3A_218 = arith.muli %scan3A_216, %mul3A_217 : i32
      %mul3A_219 = arith.constant 5 : i32
      %mul3A_220 = arith.muli %mul3A_218, %mul3A_219 : i32
      %add3A_221 = arith.constant 5 : i32
      %add3A_222 = arith.addi %mul3A_220, %add3A_221 : i32
      %gt3A = arith.constant 0 : i32
      %gt3A_223 = arith.cmpi sgt, %scan3A_216, %gt3A : i32
      %convert_element_type3A = arith.extui %gt3A_223 : i1 to i32
      %cond3A = arith.constant 0 : i32
      %cond3A_224 = arith.cmpi ne, %convert_element_type3A, %cond3A : i32
      scf.if %cond3A_224 {
        %dma_wait3A_594 = arith.constant 5 : i32
        %dma_wait3A_595 = arith.constant 0 : i32
        %dma_wait3A_596 = arith.constant 0 : i32
        %dma_wait3A_597 = tpu.memref_slice %arg6[%dma_wait3A_594, %dma_wait3A_595, %dma_wait3A_596] : memref<10x128x64xf32, #tpu.memory_space<vmem>> -> memref<1x128x64xf32, #tpu.memory_space<vmem>>
        %dma_wait3A_598 = tpu.memref_squeeze %dma_wait3A_597 : memref<1x128x64xf32, #tpu.memory_space<vmem>> -> memref<128x64xf32, #tpu.memory_space<vmem>>
        %dma_wait3A_599 = arith.constant 0 : i32
        %dma_wait3A_600 = arith.constant 0 : i32
        %dma_wait3A_601 = tpu.memref_slice %arg4[%dma_wait3A_599, %dma_wait3A_600] : memref<819200x64xf32, #tpu.memory_space<hbm>> -> memref<128x64xf32, #tpu.memory_space<hbm>>
        %dma_wait3A_602 = arith.constant 0 : i32
        %dma_wait3A_603 = arith.constant 0 : i32
        %dma_wait3A_604 = tpu.memref_slice %arg4[%dma_wait3A_602, %dma_wait3A_603] : memref<819200x64xf32, #tpu.memory_space<hbm>> -> memref<128x64xf32, #tpu.memory_space<hbm>>
        %dma_wait3A_605 = arith.constant 0 : i32
        %dma_wait3A_606 = arith.constant 0 : i32
        %dma_wait3A_607 = tpu.memref_slice %arg6[%dma_wait3A_594, %dma_wait3A_605, %dma_wait3A_606] : memref<10x128x64xf32, #tpu.memory_space<vmem>> -> memref<1x128x64xf32, #tpu.memory_space<vmem>>
        %dma_wait3A_608 = tpu.memref_squeeze %dma_wait3A_607 : memref<1x128x64xf32, #tpu.memory_space<vmem>> -> memref<128x64xf32, #tpu.memory_space<vmem>>
        tpu.wait_dma2 semaphore(%arg10 : memref<!tpu.dma_semaphore, #tpu.memory_space<semaphore_mem>>) src(%dma_wait3A_608 : memref<128x64xf32, #tpu.memory_space<vmem>>) dst(%dma_wait3A_604 : memref<128x64xf32, #tpu.memory_space<hbm>>)
        %dma_wait3A_609 = arith.constant 6 : i32
        %dma_wait3A_610 = arith.constant 0 : i32
        %dma_wait3A_611 = arith.constant 0 : i32
        %dma_wait3A_612 = tpu.memref_slice %arg6[%dma_wait3A_609, %dma_wait3A_610, %dma_wait3A_611] : memref<10x128x64xf32, #tpu.memory_space<vmem>> -> memref<1x128x64xf32, #tpu.memory_space<vmem>>
        %dma_wait3A_613 = tpu.memref_squeeze %dma_wait3A_612 : memref<1x128x64xf32, #tpu.memory_space<vmem>> -> memref<128x64xf32, #tpu.memory_space<vmem>>
        %dma_wait3A_614 = arith.constant 0 : i32
        %dma_wait3A_615 = arith.constant 0 : i32
        %dma_wait3A_616 = tpu.memref_slice %arg4[%dma_wait3A_614, %dma_wait3A_615] : memref<819200x64xf32, #tpu.memory_space<hbm>> -> memref<128x64xf32, #tpu.memory_space<hbm>>
        %dma_wait3A_617 = arith.constant 0 : i32
        %dma_wait3A_618 = arith.constant 0 : i32
        %dma_wait3A_619 = tpu.memref_slice %arg4[%dma_wait3A_617, %dma_wait3A_618] : memref<819200x64xf32, #tpu.memory_space<hbm>> -> memref<128x64xf32, #tpu.memory_space<hbm>>
        %dma_wait3A_620 = arith.constant 0 : i32
        %dma_wait3A_621 = arith.constant 0 : i32
        %dma_wait3A_622 = tpu.memref_slice %arg6[%dma_wait3A_609, %dma_wait3A_620, %dma_wait3A_621] : memref<10x128x64xf32, #tpu.memory_space<vmem>> -> memref<1x128x64xf32, #tpu.memory_space<vmem>>
        %dma_wait3A_623 = tpu.memref_squeeze %dma_wait3A_622 : memref<1x128x64xf32, #tpu.memory_space<vmem>> -> memref<128x64xf32, #tpu.memory_space<vmem>>
        tpu.wait_dma2 semaphore(%arg10 : memref<!tpu.dma_semaphore, #tpu.memory_space<semaphore_mem>>) src(%dma_wait3A_623 : memref<128x64xf32, #tpu.memory_space<vmem>>) dst(%dma_wait3A_619 : memref<128x64xf32, #tpu.memory_space<hbm>>)
        %dma_wait3A_624 = arith.constant 7 : i32
        %dma_wait3A_625 = arith.constant 0 : i32
        %dma_wait3A_626 = arith.constant 0 : i32
        %dma_wait3A_627 = tpu.memref_slice %arg6[%dma_wait3A_624, %dma_wait3A_625, %dma_wait3A_626] : memref<10x128x64xf32, #tpu.memory_space<vmem>> -> memref<1x128x64xf32, #tpu.memory_space<vmem>>
        %dma_wait3A_628 = tpu.memref_squeeze %dma_wait3A_627 : memref<1x128x64xf32, #tpu.memory_space<vmem>> -> memref<128x64xf32, #tpu.memory_space<vmem>>
        %dma_wait3A_629 = arith.constant 0 : i32
        %dma_wait3A_630 = arith.constant 0 : i32
        %dma_wait3A_631 = tpu.memref_slice %arg4[%dma_wait3A_629, %dma_wait3A_630] : memref<819200x64xf32, #tpu.memory_space<hbm>> -> memref<128x64xf32, #tpu.memory_space<hbm>>
        %dma_wait3A_632 = arith.constant 0 : i32
        %dma_wait3A_633 = arith.constant 0 : i32
        %dma_wait3A_634 = tpu.memref_slice %arg4[%dma_wait3A_632, %dma_wait3A_633] : memref<819200x64xf32, #tpu.memory_space<hbm>> -> memref<128x64xf32, #tpu.memory_space<hbm>>
        %dma_wait3A_635 = arith.constant 0 : i32
        %dma_wait3A_636 = arith.constant 0 : i32
        %dma_wait3A_637 = tpu.memref_slice %arg6[%dma_wait3A_624, %dma_wait3A_635, %dma_wait3A_636] : memref<10x128x64xf32, #tpu.memory_space<vmem>> -> memref<1x128x64xf32, #tpu.memory_space<vmem>>
        %dma_wait3A_638 = tpu.memref_squeeze %dma_wait3A_637 : memref<1x128x64xf32, #tpu.memory_space<vmem>> -> memref<128x64xf32, #tpu.memory_space<vmem>>
        tpu.wait_dma2 semaphore(%arg10 : memref<!tpu.dma_semaphore, #tpu.memory_space<semaphore_mem>>) src(%dma_wait3A_638 : memref<128x64xf32, #tpu.memory_space<vmem>>) dst(%dma_wait3A_634 : memref<128x64xf32, #tpu.memory_space<hbm>>)
        %dma_wait3A_639 = arith.constant 8 : i32
        %dma_wait3A_640 = arith.constant 0 : i32
        %dma_wait3A_641 = arith.constant 0 : i32
        %dma_wait3A_642 = tpu.memref_slice %arg6[%dma_wait3A_639, %dma_wait3A_640, %dma_wait3A_641] : memref<10x128x64xf32, #tpu.memory_space<vmem>> -> memref<1x128x64xf32, #tpu.memory_space<vmem>>
        %dma_wait3A_643 = tpu.memref_squeeze %dma_wait3A_642 : memref<1x128x64xf32, #tpu.memory_space<vmem>> -> memref<128x64xf32, #tpu.memory_space<vmem>>
        %dma_wait3A_644 = arith.constant 0 : i32
        %dma_wait3A_645 = arith.constant 0 : i32
        %dma_wait3A_646 = tpu.memref_slice %arg4[%dma_wait3A_644, %dma_wait3A_645] : memref<819200x64xf32, #tpu.memory_space<hbm>> -> memref<128x64xf32, #tpu.memory_space<hbm>>
        %dma_wait3A_647 = arith.constant 0 : i32
        %dma_wait3A_648 = arith.constant 0 : i32
        %dma_wait3A_649 = tpu.memref_slice %arg4[%dma_wait3A_647, %dma_wait3A_648] : memref<819200x64xf32, #tpu.memory_space<hbm>> -> memref<128x64xf32, #tpu.memory_space<hbm>>
        %dma_wait3A_650 = arith.constant 0 : i32
        %dma_wait3A_651 = arith.constant 0 : i32
        %dma_wait3A_652 = tpu.memref_slice %arg6[%dma_wait3A_639, %dma_wait3A_650, %dma_wait3A_651] : memref<10x128x64xf32, #tpu.memory_space<vmem>> -> memref<1x128x64xf32, #tpu.memory_space<vmem>>
        %dma_wait3A_653 = tpu.memref_squeeze %dma_wait3A_652 : memref<1x128x64xf32, #tpu.memory_space<vmem>> -> memref<128x64xf32, #tpu.memory_space<vmem>>
        tpu.wait_dma2 semaphore(%arg10 : memref<!tpu.dma_semaphore, #tpu.memory_space<semaphore_mem>>) src(%dma_wait3A_653 : memref<128x64xf32, #tpu.memory_space<vmem>>) dst(%dma_wait3A_649 : memref<128x64xf32, #tpu.memory_space<hbm>>)
        %dma_wait3A_654 = arith.constant 9 : i32
        %dma_wait3A_655 = arith.constant 0 : i32
        %dma_wait3A_656 = arith.constant 0 : i32
        %dma_wait3A_657 = tpu.memref_slice %arg6[%dma_wait3A_654, %dma_wait3A_655, %dma_wait3A_656] : memref<10x128x64xf32, #tpu.memory_space<vmem>> -> memref<1x128x64xf32, #tpu.memory_space<vmem>>
        %dma_wait3A_658 = tpu.memref_squeeze %dma_wait3A_657 : memref<1x128x64xf32, #tpu.memory_space<vmem>> -> memref<128x64xf32, #tpu.memory_space<vmem>>
        %dma_wait3A_659 = arith.constant 0 : i32
        %dma_wait3A_660 = arith.constant 0 : i32
        %dma_wait3A_661 = tpu.memref_slice %arg4[%dma_wait3A_659, %dma_wait3A_660] : memref<819200x64xf32, #tpu.memory_space<hbm>> -> memref<128x64xf32, #tpu.memory_space<hbm>>
        %dma_wait3A_662 = arith.constant 0 : i32
        %dma_wait3A_663 = arith.constant 0 : i32
        %dma_wait3A_664 = tpu.memref_slice %arg4[%dma_wait3A_662, %dma_wait3A_663] : memref<819200x64xf32, #tpu.memory_space<hbm>> -> memref<128x64xf32, #tpu.memory_space<hbm>>
        %dma_wait3A_665 = arith.constant 0 : i32
        %dma_wait3A_666 = arith.constant 0 : i32
        %dma_wait3A_667 = tpu.memref_slice %arg6[%dma_wait3A_654, %dma_wait3A_665, %dma_wait3A_666] : memref<10x128x64xf32, #tpu.memory_space<vmem>> -> memref<1x128x64xf32, #tpu.memory_space<vmem>>
        %dma_wait3A_668 = tpu.memref_squeeze %dma_wait3A_667 : memref<1x128x64xf32, #tpu.memory_space<vmem>> -> memref<128x64xf32, #tpu.memory_space<vmem>>
        tpu.wait_dma2 semaphore(%arg10 : memref<!tpu.dma_semaphore, #tpu.memory_space<semaphore_mem>>) src(%dma_wait3A_668 : memref<128x64xf32, #tpu.memory_space<vmem>>) dst(%dma_wait3A_664 : memref<128x64xf32, #tpu.memory_space<hbm>>)
      } else {
      }
      %add3A_225 = arith.constant 0 : i32
      %add3A_226 = arith.addi %add3A_222, %add3A_225 : i32
      %dma_start3A_227 = arith.constant 5 : i32
      %dma_start3A_228 = arith.constant 0 : i32
      %dma_start3A_229 = arith.constant 0 : i32
      %dma_start3A_230 = tpu.memref_slice %arg6[%dma_start3A_227, %dma_start3A_228, %dma_start3A_229] : memref<10x128x64xf32, #tpu.memory_space<vmem>> -> memref<1x128x64xf32, #tpu.memory_space<vmem>>
      %dma_start3A_231 = tpu.memref_squeeze %dma_start3A_230 : memref<1x128x64xf32, #tpu.memory_space<vmem>> -> memref<128x64xf32, #tpu.memory_space<vmem>>
      %dma_start3A_232 = arith.constant 0 : i32
      %dma_start3A_233 = tpu.memref_slice %arg5[%add3A_226, %dma_start3A_232] : memref<200x128xi32, #tpu.memory_space<vmem>> -> memref<1x128xi32, #tpu.memory_space<vmem>>
      %dma_start3A_234 = tpu.memref_squeeze %dma_start3A_233 : memref<1x128xi32, #tpu.memory_space<vmem>> -> memref<128xi32, #tpu.memory_space<vmem>>
      %dma_start3A_235 = arith.constant 0 : i32
      %dma_start3A_236 = arith.constant 0 : i32
      %dma_start3A_237 = tpu.memref_slice %arg3[%dma_start3A_235, %dma_start3A_236] : memref<1000000x64xf32, #tpu.memory_space<hbm>> -> memref<1000000x64xf32, #tpu.memory_space<hbm>>
      tpu.enqueue_indirect_dma source(%dma_start3A_237 : memref<1000000x64xf32, #tpu.memory_space<hbm>>) target(%dma_start3A_231 : memref<128x64xf32, #tpu.memory_space<vmem>>) offsets(%dma_start3A_234 : memref<128xi32, #tpu.memory_space<vmem>>) semaphore(%arg8 : memref<!tpu.dma_semaphore, #tpu.memory_space<semaphore_mem>>)
      %add3A_238 = arith.constant 1 : i32
      %add3A_239 = arith.addi %add3A_222, %add3A_238 : i32
      %dma_start3A_240 = arith.constant 6 : i32
      %dma_start3A_241 = arith.constant 0 : i32
      %dma_start3A_242 = arith.constant 0 : i32
      %dma_start3A_243 = tpu.memref_slice %arg6[%dma_start3A_240, %dma_start3A_241, %dma_start3A_242] : memref<10x128x64xf32, #tpu.memory_space<vmem>> -> memref<1x128x64xf32, #tpu.memory_space<vmem>>
      %dma_start3A_244 = tpu.memref_squeeze %dma_start3A_243 : memref<1x128x64xf32, #tpu.memory_space<vmem>> -> memref<128x64xf32, #tpu.memory_space<vmem>>
      %dma_start3A_245 = arith.constant 0 : i32
      %dma_start3A_246 = tpu.memref_slice %arg5[%add3A_239, %dma_start3A_245] : memref<200x128xi32, #tpu.memory_space<vmem>> -> memref<1x128xi32, #tpu.memory_space<vmem>>
      %dma_start3A_247 = tpu.memref_squeeze %dma_start3A_246 : memref<1x128xi32, #tpu.memory_space<vmem>> -> memref<128xi32, #tpu.memory_space<vmem>>
      %dma_start3A_248 = arith.constant 0 : i32
      %dma_start3A_249 = arith.constant 0 : i32
      %dma_start3A_250 = tpu.memref_slice %arg3[%dma_start3A_248, %dma_start3A_249] : memref<1000000x64xf32, #tpu.memory_space<hbm>> -> memref<1000000x64xf32, #tpu.memory_space<hbm>>
      tpu.enqueue_indirect_dma source(%dma_start3A_250 : memref<1000000x64xf32, #tpu.memory_space<hbm>>) target(%dma_start3A_244 : memref<128x64xf32, #tpu.memory_space<vmem>>) offsets(%dma_start3A_247 : memref<128xi32, #tpu.memory_space<vmem>>) semaphore(%arg8 : memref<!tpu.dma_semaphore, #tpu.memory_space<semaphore_mem>>)
      %add3A_251 = arith.constant 2 : i32
      %add3A_252 = arith.addi %add3A_222, %add3A_251 : i32
      %dma_start3A_253 = arith.constant 7 : i32
      %dma_start3A_254 = arith.constant 0 : i32
      %dma_start3A_255 = arith.constant 0 : i32
      %dma_start3A_256 = tpu.memref_slice %arg6[%dma_start3A_253, %dma_start3A_254, %dma_start3A_255] : memref<10x128x64xf32, #tpu.memory_space<vmem>> -> memref<1x128x64xf32, #tpu.memory_space<vmem>>
      %dma_start3A_257 = tpu.memref_squeeze %dma_start3A_256 : memref<1x128x64xf32, #tpu.memory_space<vmem>> -> memref<128x64xf32, #tpu.memory_space<vmem>>
      %dma_start3A_258 = arith.constant 0 : i32
      %dma_start3A_259 = tpu.memref_slice %arg5[%add3A_252, %dma_start3A_258] : memref<200x128xi32, #tpu.memory_space<vmem>> -> memref<1x128xi32, #tpu.memory_space<vmem>>
      %dma_start3A_260 = tpu.memref_squeeze %dma_start3A_259 : memref<1x128xi32, #tpu.memory_space<vmem>> -> memref<128xi32, #tpu.memory_space<vmem>>
      %dma_start3A_261 = arith.constant 0 : i32
      %dma_start3A_262 = arith.constant 0 : i32
      %dma_start3A_263 = tpu.memref_slice %arg3[%dma_start3A_261, %dma_start3A_262] : memref<1000000x64xf32, #tpu.memory_space<hbm>> -> memref<1000000x64xf32, #tpu.memory_space<hbm>>
      tpu.enqueue_indirect_dma source(%dma_start3A_263 : memref<1000000x64xf32, #tpu.memory_space<hbm>>) target(%dma_start3A_257 : memref<128x64xf32, #tpu.memory_space<vmem>>) offsets(%dma_start3A_260 : memref<128xi32, #tpu.memory_space<vmem>>) semaphore(%arg8 : memref<!tpu.dma_semaphore, #tpu.memory_space<semaphore_mem>>)
      %add3A_264 = arith.constant 3 : i32
      %add3A_265 = arith.addi %add3A_222, %add3A_264 : i32
      %dma_start3A_266 = arith.constant 8 : i32
      %dma_start3A_267 = arith.constant 0 : i32
      %dma_start3A_268 = arith.constant 0 : i32
      %dma_start3A_269 = tpu.memref_slice %arg6[%dma_start3A_266, %dma_start3A_267, %dma_start3A_268] : memref<10x128x64xf32, #tpu.memory_space<vmem>> -> memref<1x128x64xf32, #tpu.memory_space<vmem>>
      %dma_start3A_270 = tpu.memref_squeeze %dma_start3A_269 : memref<1x128x64xf32, #tpu.memory_space<vmem>> -> memref<128x64xf32, #tpu.memory_space<vmem>>
      %dma_start3A_271 = arith.constant 0 : i32
      %dma_start3A_272 = tpu.memref_slice %arg5[%add3A_265, %dma_start3A_271] : memref<200x128xi32, #tpu.memory_space<vmem>> -> memref<1x128xi32, #tpu.memory_space<vmem>>
      %dma_start3A_273 = tpu.memref_squeeze %dma_start3A_272 : memref<1x128xi32, #tpu.memory_space<vmem>> -> memref<128xi32, #tpu.memory_space<vmem>>
      %dma_start3A_274 = arith.constant 0 : i32
      %dma_start3A_275 = arith.constant 0 : i32
      %dma_start3A_276 = tpu.memref_slice %arg3[%dma_start3A_274, %dma_start3A_275] : memref<1000000x64xf32, #tpu.memory_space<hbm>> -> memref<1000000x64xf32, #tpu.memory_space<hbm>>
      tpu.enqueue_indirect_dma source(%dma_start3A_276 : memref<1000000x64xf32, #tpu.memory_space<hbm>>) target(%dma_start3A_270 : memref<128x64xf32, #tpu.memory_space<vmem>>) offsets(%dma_start3A_273 : memref<128xi32, #tpu.memory_space<vmem>>) semaphore(%arg8 : memref<!tpu.dma_semaphore, #tpu.memory_space<semaphore_mem>>)
      %add3A_277 = arith.constant 4 : i32
      %add3A_278 = arith.addi %add3A_222, %add3A_277 : i32
      %dma_start3A_279 = arith.constant 9 : i32
      %dma_start3A_280 = arith.constant 0 : i32
      %dma_start3A_281 = arith.constant 0 : i32
      %dma_start3A_282 = tpu.memref_slice %arg6[%dma_start3A_279, %dma_start3A_280, %dma_start3A_281] : memref<10x128x64xf32, #tpu.memory_space<vmem>> -> memref<1x128x64xf32, #tpu.memory_space<vmem>>
      %dma_start3A_283 = tpu.memref_squeeze %dma_start3A_282 : memref<1x128x64xf32, #tpu.memory_space<vmem>> -> memref<128x64xf32, #tpu.memory_space<vmem>>
      %dma_start3A_284 = arith.constant 0 : i32
      %dma_start3A_285 = tpu.memref_slice %arg5[%add3A_278, %dma_start3A_284] : memref<200x128xi32, #tpu.memory_space<vmem>> -> memref<1x128xi32, #tpu.memory_space<vmem>>
      %dma_start3A_286 = tpu.memref_squeeze %dma_start3A_285 : memref<1x128xi32, #tpu.memory_space<vmem>> -> memref<128xi32, #tpu.memory_space<vmem>>
      %dma_start3A_287 = arith.constant 0 : i32
      %dma_start3A_288 = arith.constant 0 : i32
      %dma_start3A_289 = tpu.memref_slice %arg3[%dma_start3A_287, %dma_start3A_288] : memref<1000000x64xf32, #tpu.memory_space<hbm>> -> memref<1000000x64xf32, #tpu.memory_space<hbm>>
      tpu.enqueue_indirect_dma source(%dma_start3A_289 : memref<1000000x64xf32, #tpu.memory_space<hbm>>) target(%dma_start3A_283 : memref<128x64xf32, #tpu.memory_space<vmem>>) offsets(%dma_start3A_286 : memref<128xi32, #tpu.memory_space<vmem>>) semaphore(%arg8 : memref<!tpu.dma_semaphore, #tpu.memory_space<semaphore_mem>>)
      %dma_wait3A_290 = arith.constant 0 : i32
      %dma_wait3A_291 = arith.constant 0 : i32
      %dma_wait3A_292 = arith.constant 0 : i32
      %dma_wait3A_293 = arith.constant 0 : i32
      %dma_wait3A_294 = tpu.memref_slice %arg6[%dma_wait3A_291, %dma_wait3A_292, %dma_wait3A_293] : memref<10x128x64xf32, #tpu.memory_space<vmem>> -> memref<1x128x64xf32, #tpu.memory_space<vmem>>
      %dma_wait3A_295 = tpu.memref_squeeze %dma_wait3A_294 : memref<1x128x64xf32, #tpu.memory_space<vmem>> -> memref<128x64xf32, #tpu.memory_space<vmem>>
      %dma_wait3A_296 = arith.constant 0 : i32
      %dma_wait3A_297 = tpu.memref_slice %arg5[%dma_wait3A_290, %dma_wait3A_296] : memref<200x128xi32, #tpu.memory_space<vmem>> -> memref<1x128xi32, #tpu.memory_space<vmem>>
      %dma_wait3A_298 = tpu.memref_squeeze %dma_wait3A_297 : memref<1x128xi32, #tpu.memory_space<vmem>> -> memref<128xi32, #tpu.memory_space<vmem>>
      %dma_wait3A_299 = arith.constant 0 : i32
      %dma_wait3A_300 = arith.constant 0 : i32
      %dma_wait3A_301 = tpu.memref_slice %arg3[%dma_wait3A_299, %dma_wait3A_300] : memref<1000000x64xf32, #tpu.memory_space<hbm>> -> memref<1000000x64xf32, #tpu.memory_space<hbm>>
      tpu.wait_indirect_dma semaphore(%arg7 : memref<!tpu.dma_semaphore, #tpu.memory_space<semaphore_mem>>) src(%dma_wait3A_301 : memref<1000000x64xf32, #tpu.memory_space<hbm>>) dst(%dma_wait3A_295 : memref<128x64xf32, #tpu.memory_space<vmem>>)
      %dma_wait3A_302 = arith.constant 0 : i32
      %dma_wait3A_303 = arith.constant 1 : i32
      %dma_wait3A_304 = arith.constant 0 : i32
      %dma_wait3A_305 = arith.constant 0 : i32
      %dma_wait3A_306 = tpu.memref_slice %arg6[%dma_wait3A_303, %dma_wait3A_304, %dma_wait3A_305] : memref<10x128x64xf32, #tpu.memory_space<vmem>> -> memref<1x128x64xf32, #tpu.memory_space<vmem>>
      %dma_wait3A_307 = tpu.memref_squeeze %dma_wait3A_306 : memref<1x128x64xf32, #tpu.memory_space<vmem>> -> memref<128x64xf32, #tpu.memory_space<vmem>>
      %dma_wait3A_308 = arith.constant 0 : i32
      %dma_wait3A_309 = tpu.memref_slice %arg5[%dma_wait3A_302, %dma_wait3A_308] : memref<200x128xi32, #tpu.memory_space<vmem>> -> memref<1x128xi32, #tpu.memory_space<vmem>>
      %dma_wait3A_310 = tpu.memref_squeeze %dma_wait3A_309 : memref<1x128xi32, #tpu.memory_space<vmem>> -> memref<128xi32, #tpu.memory_space<vmem>>
      %dma_wait3A_311 = arith.constant 0 : i32
      %dma_wait3A_312 = arith.constant 0 : i32
      %dma_wait3A_313 = tpu.memref_slice %arg3[%dma_wait3A_311, %dma_wait3A_312] : memref<1000000x64xf32, #tpu.memory_space<hbm>> -> memref<1000000x64xf32, #tpu.memory_space<hbm>>
      tpu.wait_indirect_dma semaphore(%arg7 : memref<!tpu.dma_semaphore, #tpu.memory_space<semaphore_mem>>) src(%dma_wait3A_313 : memref<1000000x64xf32, #tpu.memory_space<hbm>>) dst(%dma_wait3A_307 : memref<128x64xf32, #tpu.memory_space<vmem>>)
      %dma_wait3A_314 = arith.constant 0 : i32
      %dma_wait3A_315 = arith.constant 2 : i32
      %dma_wait3A_316 = arith.constant 0 : i32
      %dma_wait3A_317 = arith.constant 0 : i32
      %dma_wait3A_318 = tpu.memref_slice %arg6[%dma_wait3A_315, %dma_wait3A_316, %dma_wait3A_317] : memref<10x128x64xf32, #tpu.memory_space<vmem>> -> memref<1x128x64xf32, #tpu.memory_space<vmem>>
      %dma_wait3A_319 = tpu.memref_squeeze %dma_wait3A_318 : memref<1x128x64xf32, #tpu.memory_space<vmem>> -> memref<128x64xf32, #tpu.memory_space<vmem>>
      %dma_wait3A_320 = arith.constant 0 : i32
      %dma_wait3A_321 = tpu.memref_slice %arg5[%dma_wait3A_314, %dma_wait3A_320] : memref<200x128xi32, #tpu.memory_space<vmem>> -> memref<1x128xi32, #tpu.memory_space<vmem>>
      %dma_wait3A_322 = tpu.memref_squeeze %dma_wait3A_321 : memref<1x128xi32, #tpu.memory_space<vmem>> -> memref<128xi32, #tpu.memory_space<vmem>>
      %dma_wait3A_323 = arith.constant 0 : i32
      %dma_wait3A_324 = arith.constant 0 : i32
      %dma_wait3A_325 = tpu.memref_slice %arg3[%dma_wait3A_323, %dma_wait3A_324] : memref<1000000x64xf32, #tpu.memory_space<hbm>> -> memref<1000000x64xf32, #tpu.memory_space<hbm>>
      tpu.wait_indirect_dma semaphore(%arg7 : memref<!tpu.dma_semaphore, #tpu.memory_space<semaphore_mem>>) src(%dma_wait3A_325 : memref<1000000x64xf32, #tpu.memory_space<hbm>>) dst(%dma_wait3A_319 : memref<128x64xf32, #tpu.memory_space<vmem>>)
      %dma_wait3A_326 = arith.constant 0 : i32
      %dma_wait3A_327 = arith.constant 3 : i32
      %dma_wait3A_328 = arith.constant 0 : i32
      %dma_wait3A_329 = arith.constant 0 : i32
      %dma_wait3A_330 = tpu.memref_slice %arg6[%dma_wait3A_327, %dma_wait3A_328, %dma_wait3A_329] : memref<10x128x64xf32, #tpu.memory_space<vmem>> -> memref<1x128x64xf32, #tpu.memory_space<vmem>>
      %dma_wait3A_331 = tpu.memref_squeeze %dma_wait3A_330 : memref<1x128x64xf32, #tpu.memory_space<vmem>> -> memref<128x64xf32, #tpu.memory_space<vmem>>
      %dma_wait3A_332 = arith.constant 0 : i32
      %dma_wait3A_333 = tpu.memref_slice %arg5[%dma_wait3A_326, %dma_wait3A_332] : memref<200x128xi32, #tpu.memory_space<vmem>> -> memref<1x128xi32, #tpu.memory_space<vmem>>
      %dma_wait3A_334 = tpu.memref_squeeze %dma_wait3A_333 : memref<1x128xi32, #tpu.memory_space<vmem>> -> memref<128xi32, #tpu.memory_space<vmem>>
      %dma_wait3A_335 = arith.constant 0 : i32
      %dma_wait3A_336 = arith.constant 0 : i32
      %dma_wait3A_337 = tpu.memref_slice %arg3[%dma_wait3A_335, %dma_wait3A_336] : memref<1000000x64xf32, #tpu.memory_space<hbm>> -> memref<1000000x64xf32, #tpu.memory_space<hbm>>
      tpu.wait_indirect_dma semaphore(%arg7 : memref<!tpu.dma_semaphore, #tpu.memory_space<semaphore_mem>>) src(%dma_wait3A_337 : memref<1000000x64xf32, #tpu.memory_space<hbm>>) dst(%dma_wait3A_331 : memref<128x64xf32, #tpu.memory_space<vmem>>)
      %dma_wait3A_338 = arith.constant 0 : i32
      %dma_wait3A_339 = arith.constant 4 : i32
      %dma_wait3A_340 = arith.constant 0 : i32
      %dma_wait3A_341 = arith.constant 0 : i32
      %dma_wait3A_342 = tpu.memref_slice %arg6[%dma_wait3A_339, %dma_wait3A_340, %dma_wait3A_341] : memref<10x128x64xf32, #tpu.memory_space<vmem>> -> memref<1x128x64xf32, #tpu.memory_space<vmem>>
      %dma_wait3A_343 = tpu.memref_squeeze %dma_wait3A_342 : memref<1x128x64xf32, #tpu.memory_space<vmem>> -> memref<128x64xf32, #tpu.memory_space<vmem>>
      %dma_wait3A_344 = arith.constant 0 : i32
      %dma_wait3A_345 = tpu.memref_slice %arg5[%dma_wait3A_338, %dma_wait3A_344] : memref<200x128xi32, #tpu.memory_space<vmem>> -> memref<1x128xi32, #tpu.memory_space<vmem>>
      %dma_wait3A_346 = tpu.memref_squeeze %dma_wait3A_345 : memref<1x128xi32, #tpu.memory_space<vmem>> -> memref<128xi32, #tpu.memory_space<vmem>>
      %dma_wait3A_347 = arith.constant 0 : i32
      %dma_wait3A_348 = arith.constant 0 : i32
      %dma_wait3A_349 = tpu.memref_slice %arg3[%dma_wait3A_347, %dma_wait3A_348] : memref<1000000x64xf32, #tpu.memory_space<hbm>> -> memref<1000000x64xf32, #tpu.memory_space<hbm>>
      tpu.wait_indirect_dma semaphore(%arg7 : memref<!tpu.dma_semaphore, #tpu.memory_space<semaphore_mem>>) src(%dma_wait3A_349 : memref<1000000x64xf32, #tpu.memory_space<hbm>>) dst(%dma_wait3A_343 : memref<128x64xf32, #tpu.memory_space<vmem>>)
      %add3A_350 = arith.addi %mul3A_2, %mul3A_220 : i32
      %add3A_351 = arith.constant 0 : i32
      %add3A_352 = arith.addi %add3A_350, %add3A_351 : i32
      %mul3A_353 = arith.constant 128 : i32
      %mul3A_354 = arith.muli %add3A_352, %mul3A_353 : i32
      %dma_start3A_355 = arith.constant 0 : i32
      %dma_start3A_356 = arith.constant 0 : i32
      %dma_start3A_357 = arith.constant 0 : i32
      %dma_start3A_358 = tpu.memref_slice %arg6[%dma_start3A_355, %dma_start3A_356, %dma_start3A_357] : memref<10x128x64xf32, #tpu.memory_space<vmem>> -> memref<1x128x64xf32, #tpu.memory_space<vmem>>
      %dma_start3A_359 = tpu.memref_squeeze %dma_start3A_358 : memref<1x128x64xf32, #tpu.memory_space<vmem>> -> memref<128x64xf32, #tpu.memory_space<vmem>>
      %dma_start3A_360 = arith.constant 0 : i32
      %dma_start3A_361 = tpu.memref_slice %arg4[%mul3A_354, %dma_start3A_360] : memref<819200x64xf32, #tpu.memory_space<hbm>> -> memref<128x64xf32, #tpu.memory_space<hbm>>
      %dma_start3A_362 = arith.constant 0 : i32
      %dma_start3A_363 = tpu.memref_slice %arg4[%mul3A_354, %dma_start3A_362] : memref<819200x64xf32, #tpu.memory_space<hbm>> -> memref<128x64xf32, #tpu.memory_space<hbm>>
      %dma_start3A_364 = arith.constant 0 : i32
      %dma_start3A_365 = arith.constant 0 : i32
      %dma_start3A_366 = tpu.memref_slice %arg6[%dma_start3A_355, %dma_start3A_364, %dma_start3A_365] : memref<10x128x64xf32, #tpu.memory_space<vmem>> -> memref<1x128x64xf32, #tpu.memory_space<vmem>>
      %dma_start3A_367 = tpu.memref_squeeze %dma_start3A_366 : memref<1x128x64xf32, #tpu.memory_space<vmem>> -> memref<128x64xf32, #tpu.memory_space<vmem>>
      tpu.enqueue_dma source(%dma_start3A_367 : memref<128x64xf32, #tpu.memory_space<vmem>>) target(%dma_start3A_363 : memref<128x64xf32, #tpu.memory_space<hbm>>) target_semaphore(%arg9 : memref<!tpu.dma_semaphore, #tpu.memory_space<semaphore_mem>>)
      %add3A_368 = arith.addi %mul3A_2, %mul3A_220 : i32
      %add3A_369 = arith.constant 1 : i32
      %add3A_370 = arith.addi %add3A_368, %add3A_369 : i32
      %mul3A_371 = arith.constant 128 : i32
      %mul3A_372 = arith.muli %add3A_370, %mul3A_371 : i32
      %dma_start3A_373 = arith.constant 1 : i32
      %dma_start3A_374 = arith.constant 0 : i32
      %dma_start3A_375 = arith.constant 0 : i32
      %dma_start3A_376 = tpu.memref_slice %arg6[%dma_start3A_373, %dma_start3A_374, %dma_start3A_375] : memref<10x128x64xf32, #tpu.memory_space<vmem>> -> memref<1x128x64xf32, #tpu.memory_space<vmem>>
      %dma_start3A_377 = tpu.memref_squeeze %dma_start3A_376 : memref<1x128x64xf32, #tpu.memory_space<vmem>> -> memref<128x64xf32, #tpu.memory_space<vmem>>
      %dma_start3A_378 = arith.constant 0 : i32
      %dma_start3A_379 = tpu.memref_slice %arg4[%mul3A_372, %dma_start3A_378] : memref<819200x64xf32, #tpu.memory_space<hbm>> -> memref<128x64xf32, #tpu.memory_space<hbm>>
      %dma_start3A_380 = arith.constant 0 : i32
      %dma_start3A_381 = tpu.memref_slice %arg4[%mul3A_372, %dma_start3A_380] : memref<819200x64xf32, #tpu.memory_space<hbm>> -> memref<128x64xf32, #tpu.memory_space<hbm>>
      %dma_start3A_382 = arith.constant 0 : i32
      %dma_start3A_383 = arith.constant 0 : i32
      %dma_start3A_384 = tpu.memref_slice %arg6[%dma_start3A_373, %dma_start3A_382, %dma_start3A_383] : memref<10x128x64xf32, #tpu.memory_space<vmem>> -> memref<1x128x64xf32, #tpu.memory_space<vmem>>
      %dma_start3A_385 = tpu.memref_squeeze %dma_start3A_384 : memref<1x128x64xf32, #tpu.memory_space<vmem>> -> memref<128x64xf32, #tpu.memory_space<vmem>>
      tpu.enqueue_dma source(%dma_start3A_385 : memref<128x64xf32, #tpu.memory_space<vmem>>) target(%dma_start3A_381 : memref<128x64xf32, #tpu.memory_space<hbm>>) target_semaphore(%arg9 : memref<!tpu.dma_semaphore, #tpu.memory_space<semaphore_mem>>)
      %add3A_386 = arith.addi %mul3A_2, %mul3A_220 : i32
      %add3A_387 = arith.constant 2 : i32
      %add3A_388 = arith.addi %add3A_386, %add3A_387 : i32
      %mul3A_389 = arith.constant 128 : i32
      %mul3A_390 = arith.muli %add3A_388, %mul3A_389 : i32
      %dma_start3A_391 = arith.constant 2 : i32
      %dma_start3A_392 = arith.constant 0 : i32
      %dma_start3A_393 = arith.constant 0 : i32
      %dma_start3A_394 = tpu.memref_slice %arg6[%dma_start3A_391, %dma_start3A_392, %dma_start3A_393] : memref<10x128x64xf32, #tpu.memory_space<vmem>> -> memref<1x128x64xf32, #tpu.memory_space<vmem>>
      %dma_start3A_395 = tpu.memref_squeeze %dma_start3A_394 : memref<1x128x64xf32, #tpu.memory_space<vmem>> -> memref<128x64xf32, #tpu.memory_space<vmem>>
      %dma_start3A_396 = arith.constant 0 : i32
      %dma_start3A_397 = tpu.memref_slice %arg4[%mul3A_390, %dma_start3A_396] : memref<819200x64xf32, #tpu.memory_space<hbm>> -> memref<128x64xf32, #tpu.memory_space<hbm>>
      %dma_start3A_398 = arith.constant 0 : i32
      %dma_start3A_399 = tpu.memref_slice %arg4[%mul3A_390, %dma_start3A_398] : memref<819200x64xf32, #tpu.memory_space<hbm>> -> memref<128x64xf32, #tpu.memory_space<hbm>>
      %dma_start3A_400 = arith.constant 0 : i32
      %dma_start3A_401 = arith.constant 0 : i32
      %dma_start3A_402 = tpu.memref_slice %arg6[%dma_start3A_391, %dma_start3A_400, %dma_start3A_401] : memref<10x128x64xf32, #tpu.memory_space<vmem>> -> memref<1x128x64xf32, #tpu.memory_space<vmem>>
      %dma_start3A_403 = tpu.memref_squeeze %dma_start3A_402 : memref<1x128x64xf32, #tpu.memory_space<vmem>> -> memref<128x64xf32, #tpu.memory_space<vmem>>
      tpu.enqueue_dma source(%dma_start3A_403 : memref<128x64xf32, #tpu.memory_space<vmem>>) target(%dma_start3A_399 : memref<128x64xf32, #tpu.memory_space<hbm>>) target_semaphore(%arg9 : memref<!tpu.dma_semaphore, #tpu.memory_space<semaphore_mem>>)
      %add3A_404 = arith.addi %mul3A_2, %mul3A_220 : i32
      %add3A_405 = arith.constant 3 : i32
      %add3A_406 = arith.addi %add3A_404, %add3A_405 : i32
      %mul3A_407 = arith.constant 128 : i32
      %mul3A_408 = arith.muli %add3A_406, %mul3A_407 : i32
      %dma_start3A_409 = arith.constant 3 : i32
      %dma_start3A_410 = arith.constant 0 : i32
      %dma_start3A_411 = arith.constant 0 : i32
      %dma_start3A_412 = tpu.memref_slice %arg6[%dma_start3A_409, %dma_start3A_410, %dma_start3A_411] : memref<10x128x64xf32, #tpu.memory_space<vmem>> -> memref<1x128x64xf32, #tpu.memory_space<vmem>>
      %dma_start3A_413 = tpu.memref_squeeze %dma_start3A_412 : memref<1x128x64xf32, #tpu.memory_space<vmem>> -> memref<128x64xf32, #tpu.memory_space<vmem>>
      %dma_start3A_414 = arith.constant 0 : i32
      %dma_start3A_415 = tpu.memref_slice %arg4[%mul3A_408, %dma_start3A_414] : memref<819200x64xf32, #tpu.memory_space<hbm>> -> memref<128x64xf32, #tpu.memory_space<hbm>>
      %dma_start3A_416 = arith.constant 0 : i32
      %dma_start3A_417 = tpu.memref_slice %arg4[%mul3A_408, %dma_start3A_416] : memref<819200x64xf32, #tpu.memory_space<hbm>> -> memref<128x64xf32, #tpu.memory_space<hbm>>
      %dma_start3A_418 = arith.constant 0 : i32
      %dma_start3A_419 = arith.constant 0 : i32
      %dma_start3A_420 = tpu.memref_slice %arg6[%dma_start3A_409, %dma_start3A_418, %dma_start3A_419] : memref<10x128x64xf32, #tpu.memory_space<vmem>> -> memref<1x128x64xf32, #tpu.memory_space<vmem>>
      %dma_start3A_421 = tpu.memref_squeeze %dma_start3A_420 : memref<1x128x64xf32, #tpu.memory_space<vmem>> -> memref<128x64xf32, #tpu.memory_space<vmem>>
      tpu.enqueue_dma source(%dma_start3A_421 : memref<128x64xf32, #tpu.memory_space<vmem>>) target(%dma_start3A_417 : memref<128x64xf32, #tpu.memory_space<hbm>>) target_semaphore(%arg9 : memref<!tpu.dma_semaphore, #tpu.memory_space<semaphore_mem>>)
      %add3A_422 = arith.addi %mul3A_2, %mul3A_220 : i32
      %add3A_423 = arith.constant 4 : i32
      %add3A_424 = arith.addi %add3A_422, %add3A_423 : i32
      %mul3A_425 = arith.constant 128 : i32
      %mul3A_426 = arith.muli %add3A_424, %mul3A_425 : i32
      %dma_start3A_427 = arith.constant 4 : i32
      %dma_start3A_428 = arith.constant 0 : i32
      %dma_start3A_429 = arith.constant 0 : i32
      %dma_start3A_430 = tpu.memref_slice %arg6[%dma_start3A_427, %dma_start3A_428, %dma_start3A_429] : memref<10x128x64xf32, #tpu.memory_space<vmem>> -> memref<1x128x64xf32, #tpu.memory_space<vmem>>
      %dma_start3A_431 = tpu.memref_squeeze %dma_start3A_430 : memref<1x128x64xf32, #tpu.memory_space<vmem>> -> memref<128x64xf32, #tpu.memory_space<vmem>>
      %dma_start3A_432 = arith.constant 0 : i32
      %dma_start3A_433 = tpu.memref_slice %arg4[%mul3A_426, %dma_start3A_432] : memref<819200x64xf32, #tpu.memory_space<hbm>> -> memref<128x64xf32, #tpu.memory_space<hbm>>
      %dma_start3A_434 = arith.constant 0 : i32
      %dma_start3A_435 = tpu.memref_slice %arg4[%mul3A_426, %dma_start3A_434] : memref<819200x64xf32, #tpu.memory_space<hbm>> -> memref<128x64xf32, #tpu.memory_space<hbm>>
      %dma_start3A_436 = arith.constant 0 : i32
      %dma_start3A_437 = arith.constant 0 : i32
      %dma_start3A_438 = tpu.memref_slice %arg6[%dma_start3A_427, %dma_start3A_436, %dma_start3A_437] : memref<10x128x64xf32, #tpu.memory_space<vmem>> -> memref<1x128x64xf32, #tpu.memory_space<vmem>>
      %dma_start3A_439 = tpu.memref_squeeze %dma_start3A_438 : memref<1x128x64xf32, #tpu.memory_space<vmem>> -> memref<128x64xf32, #tpu.memory_space<vmem>>
      tpu.enqueue_dma source(%dma_start3A_439 : memref<128x64xf32, #tpu.memory_space<vmem>>) target(%dma_start3A_435 : memref<128x64xf32, #tpu.memory_space<hbm>>) target_semaphore(%arg9 : memref<!tpu.dma_semaphore, #tpu.memory_space<semaphore_mem>>)
      %lt3A = arith.constant 19 : i32
      %lt3A_440 = arith.cmpi slt, %scan3A_216, %lt3A : i32
      %convert_element_type3A_441 = arith.extui %lt3A_440 : i1 to i32
      %cond3A_442 = arith.constant 0 : i32
      %cond3A_443 = arith.cmpi ne, %convert_element_type3A_441, %cond3A_442 : i32
      scf.if %cond3A_443 {
        %dma_wait3A_594 = arith.constant 0 : i32
        %dma_wait3A_595 = arith.constant 0 : i32
        %dma_wait3A_596 = arith.constant 0 : i32
        %dma_wait3A_597 = tpu.memref_slice %arg6[%dma_wait3A_594, %dma_wait3A_595, %dma_wait3A_596] : memref<10x128x64xf32, #tpu.memory_space<vmem>> -> memref<1x128x64xf32, #tpu.memory_space<vmem>>
        %dma_wait3A_598 = tpu.memref_squeeze %dma_wait3A_597 : memref<1x128x64xf32, #tpu.memory_space<vmem>> -> memref<128x64xf32, #tpu.memory_space<vmem>>
        %dma_wait3A_599 = arith.constant 0 : i32
        %dma_wait3A_600 = arith.constant 0 : i32
        %dma_wait3A_601 = tpu.memref_slice %arg4[%dma_wait3A_599, %dma_wait3A_600] : memref<819200x64xf32, #tpu.memory_space<hbm>> -> memref<128x64xf32, #tpu.memory_space<hbm>>
        %dma_wait3A_602 = arith.constant 0 : i32
        %dma_wait3A_603 = arith.constant 0 : i32
        %dma_wait3A_604 = tpu.memref_slice %arg4[%dma_wait3A_602, %dma_wait3A_603] : memref<819200x64xf32, #tpu.memory_space<hbm>> -> memref<128x64xf32, #tpu.memory_space<hbm>>
        %dma_wait3A_605 = arith.constant 0 : i32
        %dma_wait3A_606 = arith.constant 0 : i32
        %dma_wait3A_607 = tpu.memref_slice %arg6[%dma_wait3A_594, %dma_wait3A_605, %dma_wait3A_606] : memref<10x128x64xf32, #tpu.memory_space<vmem>> -> memref<1x128x64xf32, #tpu.memory_space<vmem>>
        %dma_wait3A_608 = tpu.memref_squeeze %dma_wait3A_607 : memref<1x128x64xf32, #tpu.memory_space<vmem>> -> memref<128x64xf32, #tpu.memory_space<vmem>>
        tpu.wait_dma2 semaphore(%arg9 : memref<!tpu.dma_semaphore, #tpu.memory_space<semaphore_mem>>) src(%dma_wait3A_608 : memref<128x64xf32, #tpu.memory_space<vmem>>) dst(%dma_wait3A_604 : memref<128x64xf32, #tpu.memory_space<hbm>>)
        %dma_wait3A_609 = arith.constant 1 : i32
        %dma_wait3A_610 = arith.constant 0 : i32
        %dma_wait3A_611 = arith.constant 0 : i32
        %dma_wait3A_612 = tpu.memref_slice %arg6[%dma_wait3A_609, %dma_wait3A_610, %dma_wait3A_611] : memref<10x128x64xf32, #tpu.memory_space<vmem>> -> memref<1x128x64xf32, #tpu.memory_space<vmem>>
        %dma_wait3A_613 = tpu.memref_squeeze %dma_wait3A_612 : memref<1x128x64xf32, #tpu.memory_space<vmem>> -> memref<128x64xf32, #tpu.memory_space<vmem>>
        %dma_wait3A_614 = arith.constant 0 : i32
        %dma_wait3A_615 = arith.constant 0 : i32
        %dma_wait3A_616 = tpu.memref_slice %arg4[%dma_wait3A_614, %dma_wait3A_615] : memref<819200x64xf32, #tpu.memory_space<hbm>> -> memref<128x64xf32, #tpu.memory_space<hbm>>
        %dma_wait3A_617 = arith.constant 0 : i32
        %dma_wait3A_618 = arith.constant 0 : i32
        %dma_wait3A_619 = tpu.memref_slice %arg4[%dma_wait3A_617, %dma_wait3A_618] : memref<819200x64xf32, #tpu.memory_space<hbm>> -> memref<128x64xf32, #tpu.memory_space<hbm>>
        %dma_wait3A_620 = arith.constant 0 : i32
        %dma_wait3A_621 = arith.constant 0 : i32
        %dma_wait3A_622 = tpu.memref_slice %arg6[%dma_wait3A_609, %dma_wait3A_620, %dma_wait3A_621] : memref<10x128x64xf32, #tpu.memory_space<vmem>> -> memref<1x128x64xf32, #tpu.memory_space<vmem>>
        %dma_wait3A_623 = tpu.memref_squeeze %dma_wait3A_622 : memref<1x128x64xf32, #tpu.memory_space<vmem>> -> memref<128x64xf32, #tpu.memory_space<vmem>>
        tpu.wait_dma2 semaphore(%arg9 : memref<!tpu.dma_semaphore, #tpu.memory_space<semaphore_mem>>) src(%dma_wait3A_623 : memref<128x64xf32, #tpu.memory_space<vmem>>) dst(%dma_wait3A_619 : memref<128x64xf32, #tpu.memory_space<hbm>>)
        %dma_wait3A_624 = arith.constant 2 : i32
        %dma_wait3A_625 = arith.constant 0 : i32
        %dma_wait3A_626 = arith.constant 0 : i32
        %dma_wait3A_627 = tpu.memref_slice %arg6[%dma_wait3A_624, %dma_wait3A_625, %dma_wait3A_626] : memref<10x128x64xf32, #tpu.memory_space<vmem>> -> memref<1x128x64xf32, #tpu.memory_space<vmem>>
        %dma_wait3A_628 = tpu.memref_squeeze %dma_wait3A_627 : memref<1x128x64xf32, #tpu.memory_space<vmem>> -> memref<128x64xf32, #tpu.memory_space<vmem>>
        %dma_wait3A_629 = arith.constant 0 : i32
        %dma_wait3A_630 = arith.constant 0 : i32
        %dma_wait3A_631 = tpu.memref_slice %arg4[%dma_wait3A_629, %dma_wait3A_630] : memref<819200x64xf32, #tpu.memory_space<hbm>> -> memref<128x64xf32, #tpu.memory_space<hbm>>
        %dma_wait3A_632 = arith.constant 0 : i32
        %dma_wait3A_633 = arith.constant 0 : i32
        %dma_wait3A_634 = tpu.memref_slice %arg4[%dma_wait3A_632, %dma_wait3A_633] : memref<819200x64xf32, #tpu.memory_space<hbm>> -> memref<128x64xf32, #tpu.memory_space<hbm>>
        %dma_wait3A_635 = arith.constant 0 : i32
        %dma_wait3A_636 = arith.constant 0 : i32
        %dma_wait3A_637 = tpu.memref_slice %arg6[%dma_wait3A_624, %dma_wait3A_635, %dma_wait3A_636] : memref<10x128x64xf32, #tpu.memory_space<vmem>> -> memref<1x128x64xf32, #tpu.memory_space<vmem>>
        %dma_wait3A_638 = tpu.memref_squeeze %dma_wait3A_637 : memref<1x128x64xf32, #tpu.memory_space<vmem>> -> memref<128x64xf32, #tpu.memory_space<vmem>>
        tpu.wait_dma2 semaphore(%arg9 : memref<!tpu.dma_semaphore, #tpu.memory_space<semaphore_mem>>) src(%dma_wait3A_638 : memref<128x64xf32, #tpu.memory_space<vmem>>) dst(%dma_wait3A_634 : memref<128x64xf32, #tpu.memory_space<hbm>>)
        %dma_wait3A_639 = arith.constant 3 : i32
        %dma_wait3A_640 = arith.constant 0 : i32
        %dma_wait3A_641 = arith.constant 0 : i32
        %dma_wait3A_642 = tpu.memref_slice %arg6[%dma_wait3A_639, %dma_wait3A_640, %dma_wait3A_641] : memref<10x128x64xf32, #tpu.memory_space<vmem>> -> memref<1x128x64xf32, #tpu.memory_space<vmem>>
        %dma_wait3A_643 = tpu.memref_squeeze %dma_wait3A_642 : memref<1x128x64xf32, #tpu.memory_space<vmem>> -> memref<128x64xf32, #tpu.memory_space<vmem>>
        %dma_wait3A_644 = arith.constant 0 : i32
        %dma_wait3A_645 = arith.constant 0 : i32
        %dma_wait3A_646 = tpu.memref_slice %arg4[%dma_wait3A_644, %dma_wait3A_645] : memref<819200x64xf32, #tpu.memory_space<hbm>> -> memref<128x64xf32, #tpu.memory_space<hbm>>
        %dma_wait3A_647 = arith.constant 0 : i32
        %dma_wait3A_648 = arith.constant 0 : i32
        %dma_wait3A_649 = tpu.memref_slice %arg4[%dma_wait3A_647, %dma_wait3A_648] : memref<819200x64xf32, #tpu.memory_space<hbm>> -> memref<128x64xf32, #tpu.memory_space<hbm>>
        %dma_wait3A_650 = arith.constant 0 : i32
        %dma_wait3A_651 = arith.constant 0 : i32
        %dma_wait3A_652 = tpu.memref_slice %arg6[%dma_wait3A_639, %dma_wait3A_650, %dma_wait3A_651] : memref<10x128x64xf32, #tpu.memory_space<vmem>> -> memref<1x128x64xf32, #tpu.memory_space<vmem>>
        %dma_wait3A_653 = tpu.memref_squeeze %dma_wait3A_652 : memref<1x128x64xf32, #tpu.memory_space<vmem>> -> memref<128x64xf32, #tpu.memory_space<vmem>>
        tpu.wait_dma2 semaphore(%arg9 : memref<!tpu.dma_semaphore, #tpu.memory_space<semaphore_mem>>) src(%dma_wait3A_653 : memref<128x64xf32, #tpu.memory_space<vmem>>) dst(%dma_wait3A_649 : memref<128x64xf32, #tpu.memory_space<hbm>>)
        %dma_wait3A_654 = arith.constant 4 : i32
        %dma_wait3A_655 = arith.constant 0 : i32
        %dma_wait3A_656 = arith.constant 0 : i32
        %dma_wait3A_657 = tpu.memref_slice %arg6[%dma_wait3A_654, %dma_wait3A_655, %dma_wait3A_656] : memref<10x128x64xf32, #tpu.memory_space<vmem>> -> memref<1x128x64xf32, #tpu.memory_space<vmem>>
        %dma_wait3A_658 = tpu.memref_squeeze %dma_wait3A_657 : memref<1x128x64xf32, #tpu.memory_space<vmem>> -> memref<128x64xf32, #tpu.memory_space<vmem>>
        %dma_wait3A_659 = arith.constant 0 : i32
        %dma_wait3A_660 = arith.constant 0 : i32
        %dma_wait3A_661 = tpu.memref_slice %arg4[%dma_wait3A_659, %dma_wait3A_660] : memref<819200x64xf32, #tpu.memory_space<hbm>> -> memref<128x64xf32, #tpu.memory_space<hbm>>
        %dma_wait3A_662 = arith.constant 0 : i32
        %dma_wait3A_663 = arith.constant 0 : i32
        %dma_wait3A_664 = tpu.memref_slice %arg4[%dma_wait3A_662, %dma_wait3A_663] : memref<819200x64xf32, #tpu.memory_space<hbm>> -> memref<128x64xf32, #tpu.memory_space<hbm>>
        %dma_wait3A_665 = arith.constant 0 : i32
        %dma_wait3A_666 = arith.constant 0 : i32
        %dma_wait3A_667 = tpu.memref_slice %arg6[%dma_wait3A_654, %dma_wait3A_665, %dma_wait3A_666] : memref<10x128x64xf32, #tpu.memory_space<vmem>> -> memref<1x128x64xf32, #tpu.memory_space<vmem>>
        %dma_wait3A_668 = tpu.memref_squeeze %dma_wait3A_667 : memref<1x128x64xf32, #tpu.memory_space<vmem>> -> memref<128x64xf32, #tpu.memory_space<vmem>>
        tpu.wait_dma2 semaphore(%arg9 : memref<!tpu.dma_semaphore, #tpu.memory_space<semaphore_mem>>) src(%dma_wait3A_668 : memref<128x64xf32, #tpu.memory_space<vmem>>) dst(%dma_wait3A_664 : memref<128x64xf32, #tpu.memory_space<hbm>>)
        %add3A_669 = arith.constant 10 : i32
        %add3A_670 = arith.addi %mul3A_220, %add3A_669 : i32
        %add3A_671 = arith.constant 0 : i32
        %add3A_672 = arith.addi %add3A_670, %add3A_671 : i32
        %dma_start3A_673 = arith.constant 0 : i32
        %dma_start3A_674 = arith.constant 0 : i32
        %dma_start3A_675 = arith.constant 0 : i32
        %dma_start3A_676 = tpu.memref_slice %arg6[%dma_start3A_673, %dma_start3A_674, %dma_start3A_675] : memref<10x128x64xf32, #tpu.memory_space<vmem>> -> memref<1x128x64xf32, #tpu.memory_space<vmem>>
        %dma_start3A_677 = tpu.memref_squeeze %dma_start3A_676 : memref<1x128x64xf32, #tpu.memory_space<vmem>> -> memref<128x64xf32, #tpu.memory_space<vmem>>
        %dma_start3A_678 = arith.constant 0 : i32
        %dma_start3A_679 = tpu.memref_slice %arg5[%add3A_672, %dma_start3A_678] : memref<200x128xi32, #tpu.memory_space<vmem>> -> memref<1x128xi32, #tpu.memory_space<vmem>>
        %dma_start3A_680 = tpu.memref_squeeze %dma_start3A_679 : memref<1x128xi32, #tpu.memory_space<vmem>> -> memref<128xi32, #tpu.memory_space<vmem>>
        %dma_start3A_681 = arith.constant 0 : i32
        %dma_start3A_682 = arith.constant 0 : i32
        %dma_start3A_683 = tpu.memref_slice %arg3[%dma_start3A_681, %dma_start3A_682] : memref<1000000x64xf32, #tpu.memory_space<hbm>> -> memref<1000000x64xf32, #tpu.memory_space<hbm>>
        tpu.enqueue_indirect_dma source(%dma_start3A_683 : memref<1000000x64xf32, #tpu.memory_space<hbm>>) target(%dma_start3A_677 : memref<128x64xf32, #tpu.memory_space<vmem>>) offsets(%dma_start3A_680 : memref<128xi32, #tpu.memory_space<vmem>>) semaphore(%arg7 : memref<!tpu.dma_semaphore, #tpu.memory_space<semaphore_mem>>)
        %add3A_684 = arith.constant 1 : i32
        %add3A_685 = arith.addi %add3A_670, %add3A_684 : i32
        %dma_start3A_686 = arith.constant 1 : i32
        %dma_start3A_687 = arith.constant 0 : i32
        %dma_start3A_688 = arith.constant 0 : i32
        %dma_start3A_689 = tpu.memref_slice %arg6[%dma_start3A_686, %dma_start3A_687, %dma_start3A_688] : memref<10x128x64xf32, #tpu.memory_space<vmem>> -> memref<1x128x64xf32, #tpu.memory_space<vmem>>
        %dma_start3A_690 = tpu.memref_squeeze %dma_start3A_689 : memref<1x128x64xf32, #tpu.memory_space<vmem>> -> memref<128x64xf32, #tpu.memory_space<vmem>>
        %dma_start3A_691 = arith.constant 0 : i32
        %dma_start3A_692 = tpu.memref_slice %arg5[%add3A_685, %dma_start3A_691] : memref<200x128xi32, #tpu.memory_space<vmem>> -> memref<1x128xi32, #tpu.memory_space<vmem>>
        %dma_start3A_693 = tpu.memref_squeeze %dma_start3A_692 : memref<1x128xi32, #tpu.memory_space<vmem>> -> memref<128xi32, #tpu.memory_space<vmem>>
        %dma_start3A_694 = arith.constant 0 : i32
        %dma_start3A_695 = arith.constant 0 : i32
        %dma_start3A_696 = tpu.memref_slice %arg3[%dma_start3A_694, %dma_start3A_695] : memref<1000000x64xf32, #tpu.memory_space<hbm>> -> memref<1000000x64xf32, #tpu.memory_space<hbm>>
        tpu.enqueue_indirect_dma source(%dma_start3A_696 : memref<1000000x64xf32, #tpu.memory_space<hbm>>) target(%dma_start3A_690 : memref<128x64xf32, #tpu.memory_space<vmem>>) offsets(%dma_start3A_693 : memref<128xi32, #tpu.memory_space<vmem>>) semaphore(%arg7 : memref<!tpu.dma_semaphore, #tpu.memory_space<semaphore_mem>>)
        %add3A_697 = arith.constant 2 : i32
        %add3A_698 = arith.addi %add3A_670, %add3A_697 : i32
        %dma_start3A_699 = arith.constant 2 : i32
        %dma_start3A_700 = arith.constant 0 : i32
        %dma_start3A_701 = arith.constant 0 : i32
        %dma_start3A_702 = tpu.memref_slice %arg6[%dma_start3A_699, %dma_start3A_700, %dma_start3A_701] : memref<10x128x64xf32, #tpu.memory_space<vmem>> -> memref<1x128x64xf32, #tpu.memory_space<vmem>>
        %dma_start3A_703 = tpu.memref_squeeze %dma_start3A_702 : memref<1x128x64xf32, #tpu.memory_space<vmem>> -> memref<128x64xf32, #tpu.memory_space<vmem>>
        %dma_start3A_704 = arith.constant 0 : i32
        %dma_start3A_705 = tpu.memref_slice %arg5[%add3A_698, %dma_start3A_704] : memref<200x128xi32, #tpu.memory_space<vmem>> -> memref<1x128xi32, #tpu.memory_space<vmem>>
        %dma_start3A_706 = tpu.memref_squeeze %dma_start3A_705 : memref<1x128xi32, #tpu.memory_space<vmem>> -> memref<128xi32, #tpu.memory_space<vmem>>
        %dma_start3A_707 = arith.constant 0 : i32
        %dma_start3A_708 = arith.constant 0 : i32
        %dma_start3A_709 = tpu.memref_slice %arg3[%dma_start3A_707, %dma_start3A_708] : memref<1000000x64xf32, #tpu.memory_space<hbm>> -> memref<1000000x64xf32, #tpu.memory_space<hbm>>
        tpu.enqueue_indirect_dma source(%dma_start3A_709 : memref<1000000x64xf32, #tpu.memory_space<hbm>>) target(%dma_start3A_703 : memref<128x64xf32, #tpu.memory_space<vmem>>) offsets(%dma_start3A_706 : memref<128xi32, #tpu.memory_space<vmem>>) semaphore(%arg7 : memref<!tpu.dma_semaphore, #tpu.memory_space<semaphore_mem>>)
        %add3A_710 = arith.constant 3 : i32
        %add3A_711 = arith.addi %add3A_670, %add3A_710 : i32
        %dma_start3A_712 = arith.constant 3 : i32
        %dma_start3A_713 = arith.constant 0 : i32
        %dma_start3A_714 = arith.constant 0 : i32
        %dma_start3A_715 = tpu.memref_slice %arg6[%dma_start3A_712, %dma_start3A_713, %dma_start3A_714] : memref<10x128x64xf32, #tpu.memory_space<vmem>> -> memref<1x128x64xf32, #tpu.memory_space<vmem>>
        %dma_start3A_716 = tpu.memref_squeeze %dma_start3A_715 : memref<1x128x64xf32, #tpu.memory_space<vmem>> -> memref<128x64xf32, #tpu.memory_space<vmem>>
        %dma_start3A_717 = arith.constant 0 : i32
        %dma_start3A_718 = tpu.memref_slice %arg5[%add3A_711, %dma_start3A_717] : memref<200x128xi32, #tpu.memory_space<vmem>> -> memref<1x128xi32, #tpu.memory_space<vmem>>
        %dma_start3A_719 = tpu.memref_squeeze %dma_start3A_718 : memref<1x128xi32, #tpu.memory_space<vmem>> -> memref<128xi32, #tpu.memory_space<vmem>>
        %dma_start3A_720 = arith.constant 0 : i32
        %dma_start3A_721 = arith.constant 0 : i32
        %dma_start3A_722 = tpu.memref_slice %arg3[%dma_start3A_720, %dma_start3A_721] : memref<1000000x64xf32, #tpu.memory_space<hbm>> -> memref<1000000x64xf32, #tpu.memory_space<hbm>>
        tpu.enqueue_indirect_dma source(%dma_start3A_722 : memref<1000000x64xf32, #tpu.memory_space<hbm>>) target(%dma_start3A_716 : memref<128x64xf32, #tpu.memory_space<vmem>>) offsets(%dma_start3A_719 : memref<128xi32, #tpu.memory_space<vmem>>) semaphore(%arg7 : memref<!tpu.dma_semaphore, #tpu.memory_space<semaphore_mem>>)
        %add3A_723 = arith.constant 4 : i32
        %add3A_724 = arith.addi %add3A_670, %add3A_723 : i32
        %dma_start3A_725 = arith.constant 4 : i32
        %dma_start3A_726 = arith.constant 0 : i32
        %dma_start3A_727 = arith.constant 0 : i32
        %dma_start3A_728 = tpu.memref_slice %arg6[%dma_start3A_725, %dma_start3A_726, %dma_start3A_727] : memref<10x128x64xf32, #tpu.memory_space<vmem>> -> memref<1x128x64xf32, #tpu.memory_space<vmem>>
        %dma_start3A_729 = tpu.memref_squeeze %dma_start3A_728 : memref<1x128x64xf32, #tpu.memory_space<vmem>> -> memref<128x64xf32, #tpu.memory_space<vmem>>
        %dma_start3A_730 = arith.constant 0 : i32
        %dma_start3A_731 = tpu.memref_slice %arg5[%add3A_724, %dma_start3A_730] : memref<200x128xi32, #tpu.memory_space<vmem>> -> memref<1x128xi32, #tpu.memory_space<vmem>>
        %dma_start3A_732 = tpu.memref_squeeze %dma_start3A_731 : memref<1x128xi32, #tpu.memory_space<vmem>> -> memref<128xi32, #tpu.memory_space<vmem>>
        %dma_start3A_733 = arith.constant 0 : i32
        %dma_start3A_734 = arith.constant 0 : i32
        %dma_start3A_735 = tpu.memref_slice %arg3[%dma_start3A_733, %dma_start3A_734] : memref<1000000x64xf32, #tpu.memory_space<hbm>> -> memref<1000000x64xf32, #tpu.memory_space<hbm>>
        tpu.enqueue_indirect_dma source(%dma_start3A_735 : memref<1000000x64xf32, #tpu.memory_space<hbm>>) target(%dma_start3A_729 : memref<128x64xf32, #tpu.memory_space<vmem>>) offsets(%dma_start3A_732 : memref<128xi32, #tpu.memory_space<vmem>>) semaphore(%arg7 : memref<!tpu.dma_semaphore, #tpu.memory_space<semaphore_mem>>)
      } else {
      }
      %dma_wait3A_444 = arith.constant 0 : i32
      %dma_wait3A_445 = arith.constant 5 : i32
      %dma_wait3A_446 = arith.constant 0 : i32
      %dma_wait3A_447 = arith.constant 0 : i32
      %dma_wait3A_448 = tpu.memref_slice %arg6[%dma_wait3A_445, %dma_wait3A_446, %dma_wait3A_447] : memref<10x128x64xf32, #tpu.memory_space<vmem>> -> memref<1x128x64xf32, #tpu.memory_space<vmem>>
      %dma_wait3A_449 = tpu.memref_squeeze %dma_wait3A_448 : memref<1x128x64xf32, #tpu.memory_space<vmem>> -> memref<128x64xf32, #tpu.memory_space<vmem>>
      %dma_wait3A_450 = arith.constant 0 : i32
      %dma_wait3A_451 = tpu.memref_slice %arg5[%dma_wait3A_444, %dma_wait3A_450] : memref<200x128xi32, #tpu.memory_space<vmem>> -> memref<1x128xi32, #tpu.memory_space<vmem>>
      %dma_wait3A_452 = tpu.memref_squeeze %dma_wait3A_451 : memref<1x128xi32, #tpu.memory_space<vmem>> -> memref<128xi32, #tpu.memory_space<vmem>>
      %dma_wait3A_453 = arith.constant 0 : i32
      %dma_wait3A_454 = arith.constant 0 : i32
      %dma_wait3A_455 = tpu.memref_slice %arg3[%dma_wait3A_453, %dma_wait3A_454] : memref<1000000x64xf32, #tpu.memory_space<hbm>> -> memref<1000000x64xf32, #tpu.memory_space<hbm>>
      tpu.wait_indirect_dma semaphore(%arg8 : memref<!tpu.dma_semaphore, #tpu.memory_space<semaphore_mem>>) src(%dma_wait3A_455 : memref<1000000x64xf32, #tpu.memory_space<hbm>>) dst(%dma_wait3A_449 : memref<128x64xf32, #tpu.memory_space<vmem>>)
      %dma_wait3A_456 = arith.constant 0 : i32
      %dma_wait3A_457 = arith.constant 6 : i32
      %dma_wait3A_458 = arith.constant 0 : i32
      %dma_wait3A_459 = arith.constant 0 : i32
      %dma_wait3A_460 = tpu.memref_slice %arg6[%dma_wait3A_457, %dma_wait3A_458, %dma_wait3A_459] : memref<10x128x64xf32, #tpu.memory_space<vmem>> -> memref<1x128x64xf32, #tpu.memory_space<vmem>>
      %dma_wait3A_461 = tpu.memref_squeeze %dma_wait3A_460 : memref<1x128x64xf32, #tpu.memory_space<vmem>> -> memref<128x64xf32, #tpu.memory_space<vmem>>
      %dma_wait3A_462 = arith.constant 0 : i32
      %dma_wait3A_463 = tpu.memref_slice %arg5[%dma_wait3A_456, %dma_wait3A_462] : memref<200x128xi32, #tpu.memory_space<vmem>> -> memref<1x128xi32, #tpu.memory_space<vmem>>
      %dma_wait3A_464 = tpu.memref_squeeze %dma_wait3A_463 : memref<1x128xi32, #tpu.memory_space<vmem>> -> memref<128xi32, #tpu.memory_space<vmem>>
      %dma_wait3A_465 = arith.constant 0 : i32
      %dma_wait3A_466 = arith.constant 0 : i32
      %dma_wait3A_467 = tpu.memref_slice %arg3[%dma_wait3A_465, %dma_wait3A_466] : memref<1000000x64xf32, #tpu.memory_space<hbm>> -> memref<1000000x64xf32, #tpu.memory_space<hbm>>
      tpu.wait_indirect_dma semaphore(%arg8 : memref<!tpu.dma_semaphore, #tpu.memory_space<semaphore_mem>>) src(%dma_wait3A_467 : memref<1000000x64xf32, #tpu.memory_space<hbm>>) dst(%dma_wait3A_461 : memref<128x64xf32, #tpu.memory_space<vmem>>)
      %dma_wait3A_468 = arith.constant 0 : i32
      %dma_wait3A_469 = arith.constant 7 : i32
      %dma_wait3A_470 = arith.constant 0 : i32
      %dma_wait3A_471 = arith.constant 0 : i32
      %dma_wait3A_472 = tpu.memref_slice %arg6[%dma_wait3A_469, %dma_wait3A_470, %dma_wait3A_471] : memref<10x128x64xf32, #tpu.memory_space<vmem>> -> memref<1x128x64xf32, #tpu.memory_space<vmem>>
      %dma_wait3A_473 = tpu.memref_squeeze %dma_wait3A_472 : memref<1x128x64xf32, #tpu.memory_space<vmem>> -> memref<128x64xf32, #tpu.memory_space<vmem>>
      %dma_wait3A_474 = arith.constant 0 : i32
      %dma_wait3A_475 = tpu.memref_slice %arg5[%dma_wait3A_468, %dma_wait3A_474] : memref<200x128xi32, #tpu.memory_space<vmem>> -> memref<1x128xi32, #tpu.memory_space<vmem>>
      %dma_wait3A_476 = tpu.memref_squeeze %dma_wait3A_475 : memref<1x128xi32, #tpu.memory_space<vmem>> -> memref<128xi32, #tpu.memory_space<vmem>>
      %dma_wait3A_477 = arith.constant 0 : i32
      %dma_wait3A_478 = arith.constant 0 : i32
      %dma_wait3A_479 = tpu.memref_slice %arg3[%dma_wait3A_477, %dma_wait3A_478] : memref<1000000x64xf32, #tpu.memory_space<hbm>> -> memref<1000000x64xf32, #tpu.memory_space<hbm>>
      tpu.wait_indirect_dma semaphore(%arg8 : memref<!tpu.dma_semaphore, #tpu.memory_space<semaphore_mem>>) src(%dma_wait3A_479 : memref<1000000x64xf32, #tpu.memory_space<hbm>>) dst(%dma_wait3A_473 : memref<128x64xf32, #tpu.memory_space<vmem>>)
      %dma_wait3A_480 = arith.constant 0 : i32
      %dma_wait3A_481 = arith.constant 8 : i32
      %dma_wait3A_482 = arith.constant 0 : i32
      %dma_wait3A_483 = arith.constant 0 : i32
      %dma_wait3A_484 = tpu.memref_slice %arg6[%dma_wait3A_481, %dma_wait3A_482, %dma_wait3A_483] : memref<10x128x64xf32, #tpu.memory_space<vmem>> -> memref<1x128x64xf32, #tpu.memory_space<vmem>>
      %dma_wait3A_485 = tpu.memref_squeeze %dma_wait3A_484 : memref<1x128x64xf32, #tpu.memory_space<vmem>> -> memref<128x64xf32, #tpu.memory_space<vmem>>
      %dma_wait3A_486 = arith.constant 0 : i32
      %dma_wait3A_487 = tpu.memref_slice %arg5[%dma_wait3A_480, %dma_wait3A_486] : memref<200x128xi32, #tpu.memory_space<vmem>> -> memref<1x128xi32, #tpu.memory_space<vmem>>
      %dma_wait3A_488 = tpu.memref_squeeze %dma_wait3A_487 : memref<1x128xi32, #tpu.memory_space<vmem>> -> memref<128xi32, #tpu.memory_space<vmem>>
      %dma_wait3A_489 = arith.constant 0 : i32
      %dma_wait3A_490 = arith.constant 0 : i32
      %dma_wait3A_491 = tpu.memref_slice %arg3[%dma_wait3A_489, %dma_wait3A_490] : memref<1000000x64xf32, #tpu.memory_space<hbm>> -> memref<1000000x64xf32, #tpu.memory_space<hbm>>
      tpu.wait_indirect_dma semaphore(%arg8 : memref<!tpu.dma_semaphore, #tpu.memory_space<semaphore_mem>>) src(%dma_wait3A_491 : memref<1000000x64xf32, #tpu.memory_space<hbm>>) dst(%dma_wait3A_485 : memref<128x64xf32, #tpu.memory_space<vmem>>)
      %dma_wait3A_492 = arith.constant 0 : i32
      %dma_wait3A_493 = arith.constant 9 : i32
      %dma_wait3A_494 = arith.constant 0 : i32
      %dma_wait3A_495 = arith.constant 0 : i32
      %dma_wait3A_496 = tpu.memref_slice %arg6[%dma_wait3A_493, %dma_wait3A_494, %dma_wait3A_495] : memref<10x128x64xf32, #tpu.memory_space<vmem>> -> memref<1x128x64xf32, #tpu.memory_space<vmem>>
      %dma_wait3A_497 = tpu.memref_squeeze %dma_wait3A_496 : memref<1x128x64xf32, #tpu.memory_space<vmem>> -> memref<128x64xf32, #tpu.memory_space<vmem>>
      %dma_wait3A_498 = arith.constant 0 : i32
      %dma_wait3A_499 = tpu.memref_slice %arg5[%dma_wait3A_492, %dma_wait3A_498] : memref<200x128xi32, #tpu.memory_space<vmem>> -> memref<1x128xi32, #tpu.memory_space<vmem>>
      %dma_wait3A_500 = tpu.memref_squeeze %dma_wait3A_499 : memref<1x128xi32, #tpu.memory_space<vmem>> -> memref<128xi32, #tpu.memory_space<vmem>>
      %dma_wait3A_501 = arith.constant 0 : i32
      %dma_wait3A_502 = arith.constant 0 : i32
      %dma_wait3A_503 = tpu.memref_slice %arg3[%dma_wait3A_501, %dma_wait3A_502] : memref<1000000x64xf32, #tpu.memory_space<hbm>> -> memref<1000000x64xf32, #tpu.memory_space<hbm>>
      tpu.wait_indirect_dma semaphore(%arg8 : memref<!tpu.dma_semaphore, #tpu.memory_space<semaphore_mem>>) src(%dma_wait3A_503 : memref<1000000x64xf32, #tpu.memory_space<hbm>>) dst(%dma_wait3A_497 : memref<128x64xf32, #tpu.memory_space<vmem>>)
      %add3A_504 = arith.addi %mul3A_2, %add3A_222 : i32
      %add3A_505 = arith.constant 0 : i32
      %add3A_506 = arith.addi %add3A_504, %add3A_505 : i32
      %mul3A_507 = arith.constant 128 : i32
      %mul3A_508 = arith.muli %add3A_506, %mul3A_507 : i32
      %dma_start3A_509 = arith.constant 5 : i32
      %dma_start3A_510 = arith.constant 0 : i32
      %dma_start3A_511 = arith.constant 0 : i32
      %dma_start3A_512 = tpu.memref_slice %arg6[%dma_start3A_509, %dma_start3A_510, %dma_start3A_511] : memref<10x128x64xf32, #tpu.memory_space<vmem>> -> memref<1x128x64xf32, #tpu.memory_space<vmem>>
      %dma_start3A_513 = tpu.memref_squeeze %dma_start3A_512 : memref<1x128x64xf32, #tpu.memory_space<vmem>> -> memref<128x64xf32, #tpu.memory_space<vmem>>
      %dma_start3A_514 = arith.constant 0 : i32
      %dma_start3A_515 = tpu.memref_slice %arg4[%mul3A_508, %dma_start3A_514] : memref<819200x64xf32, #tpu.memory_space<hbm>> -> memref<128x64xf32, #tpu.memory_space<hbm>>
      %dma_start3A_516 = arith.constant 0 : i32
      %dma_start3A_517 = tpu.memref_slice %arg4[%mul3A_508, %dma_start3A_516] : memref<819200x64xf32, #tpu.memory_space<hbm>> -> memref<128x64xf32, #tpu.memory_space<hbm>>
      %dma_start3A_518 = arith.constant 0 : i32
      %dma_start3A_519 = arith.constant 0 : i32
      %dma_start3A_520 = tpu.memref_slice %arg6[%dma_start3A_509, %dma_start3A_518, %dma_start3A_519] : memref<10x128x64xf32, #tpu.memory_space<vmem>> -> memref<1x128x64xf32, #tpu.memory_space<vmem>>
      %dma_start3A_521 = tpu.memref_squeeze %dma_start3A_520 : memref<1x128x64xf32, #tpu.memory_space<vmem>> -> memref<128x64xf32, #tpu.memory_space<vmem>>
      tpu.enqueue_dma source(%dma_start3A_521 : memref<128x64xf32, #tpu.memory_space<vmem>>) target(%dma_start3A_517 : memref<128x64xf32, #tpu.memory_space<hbm>>) target_semaphore(%arg10 : memref<!tpu.dma_semaphore, #tpu.memory_space<semaphore_mem>>)
      %add3A_522 = arith.addi %mul3A_2, %add3A_222 : i32
      %add3A_523 = arith.constant 1 : i32
      %add3A_524 = arith.addi %add3A_522, %add3A_523 : i32
      %mul3A_525 = arith.constant 128 : i32
      %mul3A_526 = arith.muli %add3A_524, %mul3A_525 : i32
      %dma_start3A_527 = arith.constant 6 : i32
      %dma_start3A_528 = arith.constant 0 : i32
      %dma_start3A_529 = arith.constant 0 : i32
      %dma_start3A_530 = tpu.memref_slice %arg6[%dma_start3A_527, %dma_start3A_528, %dma_start3A_529] : memref<10x128x64xf32, #tpu.memory_space<vmem>> -> memref<1x128x64xf32, #tpu.memory_space<vmem>>
      %dma_start3A_531 = tpu.memref_squeeze %dma_start3A_530 : memref<1x128x64xf32, #tpu.memory_space<vmem>> -> memref<128x64xf32, #tpu.memory_space<vmem>>
      %dma_start3A_532 = arith.constant 0 : i32
      %dma_start3A_533 = tpu.memref_slice %arg4[%mul3A_526, %dma_start3A_532] : memref<819200x64xf32, #tpu.memory_space<hbm>> -> memref<128x64xf32, #tpu.memory_space<hbm>>
      %dma_start3A_534 = arith.constant 0 : i32
      %dma_start3A_535 = tpu.memref_slice %arg4[%mul3A_526, %dma_start3A_534] : memref<819200x64xf32, #tpu.memory_space<hbm>> -> memref<128x64xf32, #tpu.memory_space<hbm>>
      %dma_start3A_536 = arith.constant 0 : i32
      %dma_start3A_537 = arith.constant 0 : i32
      %dma_start3A_538 = tpu.memref_slice %arg6[%dma_start3A_527, %dma_start3A_536, %dma_start3A_537] : memref<10x128x64xf32, #tpu.memory_space<vmem>> -> memref<1x128x64xf32, #tpu.memory_space<vmem>>
      %dma_start3A_539 = tpu.memref_squeeze %dma_start3A_538 : memref<1x128x64xf32, #tpu.memory_space<vmem>> -> memref<128x64xf32, #tpu.memory_space<vmem>>
      tpu.enqueue_dma source(%dma_start3A_539 : memref<128x64xf32, #tpu.memory_space<vmem>>) target(%dma_start3A_535 : memref<128x64xf32, #tpu.memory_space<hbm>>) target_semaphore(%arg10 : memref<!tpu.dma_semaphore, #tpu.memory_space<semaphore_mem>>)
      %add3A_540 = arith.addi %mul3A_2, %add3A_222 : i32
      %add3A_541 = arith.constant 2 : i32
      %add3A_542 = arith.addi %add3A_540, %add3A_541 : i32
      %mul3A_543 = arith.constant 128 : i32
      %mul3A_544 = arith.muli %add3A_542, %mul3A_543 : i32
      %dma_start3A_545 = arith.constant 7 : i32
      %dma_start3A_546 = arith.constant 0 : i32
      %dma_start3A_547 = arith.constant 0 : i32
      %dma_start3A_548 = tpu.memref_slice %arg6[%dma_start3A_545, %dma_start3A_546, %dma_start3A_547] : memref<10x128x64xf32, #tpu.memory_space<vmem>> -> memref<1x128x64xf32, #tpu.memory_space<vmem>>
      %dma_start3A_549 = tpu.memref_squeeze %dma_start3A_548 : memref<1x128x64xf32, #tpu.memory_space<vmem>> -> memref<128x64xf32, #tpu.memory_space<vmem>>
      %dma_start3A_550 = arith.constant 0 : i32
      %dma_start3A_551 = tpu.memref_slice %arg4[%mul3A_544, %dma_start3A_550] : memref<819200x64xf32, #tpu.memory_space<hbm>> -> memref<128x64xf32, #tpu.memory_space<hbm>>
      %dma_start3A_552 = arith.constant 0 : i32
      %dma_start3A_553 = tpu.memref_slice %arg4[%mul3A_544, %dma_start3A_552] : memref<819200x64xf32, #tpu.memory_space<hbm>> -> memref<128x64xf32, #tpu.memory_space<hbm>>
      %dma_start3A_554 = arith.constant 0 : i32
      %dma_start3A_555 = arith.constant 0 : i32
      %dma_start3A_556 = tpu.memref_slice %arg6[%dma_start3A_545, %dma_start3A_554, %dma_start3A_555] : memref<10x128x64xf32, #tpu.memory_space<vmem>> -> memref<1x128x64xf32, #tpu.memory_space<vmem>>
      %dma_start3A_557 = tpu.memref_squeeze %dma_start3A_556 : memref<1x128x64xf32, #tpu.memory_space<vmem>> -> memref<128x64xf32, #tpu.memory_space<vmem>>
      tpu.enqueue_dma source(%dma_start3A_557 : memref<128x64xf32, #tpu.memory_space<vmem>>) target(%dma_start3A_553 : memref<128x64xf32, #tpu.memory_space<hbm>>) target_semaphore(%arg10 : memref<!tpu.dma_semaphore, #tpu.memory_space<semaphore_mem>>)
      %add3A_558 = arith.addi %mul3A_2, %add3A_222 : i32
      %add3A_559 = arith.constant 3 : i32
      %add3A_560 = arith.addi %add3A_558, %add3A_559 : i32
      %mul3A_561 = arith.constant 128 : i32
      %mul3A_562 = arith.muli %add3A_560, %mul3A_561 : i32
      %dma_start3A_563 = arith.constant 8 : i32
      %dma_start3A_564 = arith.constant 0 : i32
      %dma_start3A_565 = arith.constant 0 : i32
      %dma_start3A_566 = tpu.memref_slice %arg6[%dma_start3A_563, %dma_start3A_564, %dma_start3A_565] : memref<10x128x64xf32, #tpu.memory_space<vmem>> -> memref<1x128x64xf32, #tpu.memory_space<vmem>>
      %dma_start3A_567 = tpu.memref_squeeze %dma_start3A_566 : memref<1x128x64xf32, #tpu.memory_space<vmem>> -> memref<128x64xf32, #tpu.memory_space<vmem>>
      %dma_start3A_568 = arith.constant 0 : i32
      %dma_start3A_569 = tpu.memref_slice %arg4[%mul3A_562, %dma_start3A_568] : memref<819200x64xf32, #tpu.memory_space<hbm>> -> memref<128x64xf32, #tpu.memory_space<hbm>>
      %dma_start3A_570 = arith.constant 0 : i32
      %dma_start3A_571 = tpu.memref_slice %arg4[%mul3A_562, %dma_start3A_570] : memref<819200x64xf32, #tpu.memory_space<hbm>> -> memref<128x64xf32, #tpu.memory_space<hbm>>
      %dma_start3A_572 = arith.constant 0 : i32
      %dma_start3A_573 = arith.constant 0 : i32
      %dma_start3A_574 = tpu.memref_slice %arg6[%dma_start3A_563, %dma_start3A_572, %dma_start3A_573] : memref<10x128x64xf32, #tpu.memory_space<vmem>> -> memref<1x128x64xf32, #tpu.memory_space<vmem>>
      %dma_start3A_575 = tpu.memref_squeeze %dma_start3A_574 : memref<1x128x64xf32, #tpu.memory_space<vmem>> -> memref<128x64xf32, #tpu.memory_space<vmem>>
      tpu.enqueue_dma source(%dma_start3A_575 : memref<128x64xf32, #tpu.memory_space<vmem>>) target(%dma_start3A_571 : memref<128x64xf32, #tpu.memory_space<hbm>>) target_semaphore(%arg10 : memref<!tpu.dma_semaphore, #tpu.memory_space<semaphore_mem>>)
      %add3A_576 = arith.addi %mul3A_2, %add3A_222 : i32
      %add3A_577 = arith.constant 4 : i32
      %add3A_578 = arith.addi %add3A_576, %add3A_577 : i32
      %mul3A_579 = arith.constant 128 : i32
      %mul3A_580 = arith.muli %add3A_578, %mul3A_579 : i32
      %dma_start3A_581 = arith.constant 9 : i32
      %dma_start3A_582 = arith.constant 0 : i32
      %dma_start3A_583 = arith.constant 0 : i32
      %dma_start3A_584 = tpu.memref_slice %arg6[%dma_start3A_581, %dma_start3A_582, %dma_start3A_583] : memref<10x128x64xf32, #tpu.memory_space<vmem>> -> memref<1x128x64xf32, #tpu.memory_space<vmem>>
      %dma_start3A_585 = tpu.memref_squeeze %dma_start3A_584 : memref<1x128x64xf32, #tpu.memory_space<vmem>> -> memref<128x64xf32, #tpu.memory_space<vmem>>
      %dma_start3A_586 = arith.constant 0 : i32
      %dma_start3A_587 = tpu.memref_slice %arg4[%mul3A_580, %dma_start3A_586] : memref<819200x64xf32, #tpu.memory_space<hbm>> -> memref<128x64xf32, #tpu.memory_space<hbm>>
      %dma_start3A_588 = arith.constant 0 : i32
      %dma_start3A_589 = tpu.memref_slice %arg4[%mul3A_580, %dma_start3A_588] : memref<819200x64xf32, #tpu.memory_space<hbm>> -> memref<128x64xf32, #tpu.memory_space<hbm>>
      %dma_start3A_590 = arith.constant 0 : i32
      %dma_start3A_591 = arith.constant 0 : i32
      %dma_start3A_592 = tpu.memref_slice %arg6[%dma_start3A_581, %dma_start3A_590, %dma_start3A_591] : memref<10x128x64xf32, #tpu.memory_space<vmem>> -> memref<1x128x64xf32, #tpu.memory_space<vmem>>
      %dma_start3A_593 = tpu.memref_squeeze %dma_start3A_592 : memref<1x128x64xf32, #tpu.memory_space<vmem>> -> memref<128x64xf32, #tpu.memory_space<vmem>>
      tpu.enqueue_dma source(%dma_start3A_593 : memref<128x64xf32, #tpu.memory_space<vmem>>) target(%dma_start3A_589 : memref<128x64xf32, #tpu.memory_space<hbm>>) target_semaphore(%arg10 : memref<!tpu.dma_semaphore, #tpu.memory_space<semaphore_mem>>)
    }
    %scan3A_66 = arith.constant 20 : i32
    %dma_wait3A = arith.constant 0 : i32
    %dma_wait3A_67 = arith.constant 0 : i32
    %dma_wait3A_68 = arith.constant 0 : i32
    %dma_wait3A_69 = tpu.memref_slice %arg6[%dma_wait3A, %dma_wait3A_67, %dma_wait3A_68] : memref<10x128x64xf32, #tpu.memory_space<vmem>> -> memref<1x128x64xf32, #tpu.memory_space<vmem>>
    %dma_wait3A_70 = tpu.memref_squeeze %dma_wait3A_69 : memref<1x128x64xf32, #tpu.memory_space<vmem>> -> memref<128x64xf32, #tpu.memory_space<vmem>>
    %dma_wait3A_71 = arith.constant 0 : i32
    %dma_wait3A_72 = arith.constant 0 : i32
    %dma_wait3A_73 = tpu.memref_slice %arg4[%dma_wait3A_71, %dma_wait3A_72] : memref<819200x64xf32, #tpu.memory_space<hbm>> -> memref<128x64xf32, #tpu.memory_space<hbm>>
    %dma_wait3A_74 = arith.constant 0 : i32
    %dma_wait3A_75 = arith.constant 0 : i32
    %dma_wait3A_76 = tpu.memref_slice %arg4[%dma_wait3A_74, %dma_wait3A_75] : memref<819200x64xf32, #tpu.memory_space<hbm>> -> memref<128x64xf32, #tpu.memory_space<hbm>>
    %dma_wait3A_77 = arith.constant 0 : i32
    %dma_wait3A_78 = arith.constant 0 : i32
    %dma_wait3A_79 = tpu.memref_slice %arg6[%dma_wait3A, %dma_wait3A_77, %dma_wait3A_78] : memref<10x128x64xf32, #tpu.memory_space<vmem>> -> memref<1x128x64xf32, #tpu.memory_space<vmem>>
    %dma_wait3A_80 = tpu.memref_squeeze %dma_wait3A_79 : memref<1x128x64xf32, #tpu.memory_space<vmem>> -> memref<128x64xf32, #tpu.memory_space<vmem>>
    tpu.wait_dma2 semaphore(%arg9 : memref<!tpu.dma_semaphore, #tpu.memory_space<semaphore_mem>>) src(%dma_wait3A_80 : memref<128x64xf32, #tpu.memory_space<vmem>>) dst(%dma_wait3A_76 : memref<128x64xf32, #tpu.memory_space<hbm>>)
    %dma_wait3A_81 = arith.constant 1 : i32
    %dma_wait3A_82 = arith.constant 0 : i32
    %dma_wait3A_83 = arith.constant 0 : i32
    %dma_wait3A_84 = tpu.memref_slice %arg6[%dma_wait3A_81, %dma_wait3A_82, %dma_wait3A_83] : memref<10x128x64xf32, #tpu.memory_space<vmem>> -> memref<1x128x64xf32, #tpu.memory_space<vmem>>
    %dma_wait3A_85 = tpu.memref_squeeze %dma_wait3A_84 : memref<1x128x64xf32, #tpu.memory_space<vmem>> -> memref<128x64xf32, #tpu.memory_space<vmem>>
    %dma_wait3A_86 = arith.constant 0 : i32
    %dma_wait3A_87 = arith.constant 0 : i32
    %dma_wait3A_88 = tpu.memref_slice %arg4[%dma_wait3A_86, %dma_wait3A_87] : memref<819200x64xf32, #tpu.memory_space<hbm>> -> memref<128x64xf32, #tpu.memory_space<hbm>>
    %dma_wait3A_89 = arith.constant 0 : i32
    %dma_wait3A_90 = arith.constant 0 : i32
    %dma_wait3A_91 = tpu.memref_slice %arg4[%dma_wait3A_89, %dma_wait3A_90] : memref<819200x64xf32, #tpu.memory_space<hbm>> -> memref<128x64xf32, #tpu.memory_space<hbm>>
    %dma_wait3A_92 = arith.constant 0 : i32
    %dma_wait3A_93 = arith.constant 0 : i32
    %dma_wait3A_94 = tpu.memref_slice %arg6[%dma_wait3A_81, %dma_wait3A_92, %dma_wait3A_93] : memref<10x128x64xf32, #tpu.memory_space<vmem>> -> memref<1x128x64xf32, #tpu.memory_space<vmem>>
    %dma_wait3A_95 = tpu.memref_squeeze %dma_wait3A_94 : memref<1x128x64xf32, #tpu.memory_space<vmem>> -> memref<128x64xf32, #tpu.memory_space<vmem>>
    tpu.wait_dma2 semaphore(%arg9 : memref<!tpu.dma_semaphore, #tpu.memory_space<semaphore_mem>>) src(%dma_wait3A_95 : memref<128x64xf32, #tpu.memory_space<vmem>>) dst(%dma_wait3A_91 : memref<128x64xf32, #tpu.memory_space<hbm>>)
    %dma_wait3A_96 = arith.constant 2 : i32
    %dma_wait3A_97 = arith.constant 0 : i32
    %dma_wait3A_98 = arith.constant 0 : i32
    %dma_wait3A_99 = tpu.memref_slice %arg6[%dma_wait3A_96, %dma_wait3A_97, %dma_wait3A_98] : memref<10x128x64xf32, #tpu.memory_space<vmem>> -> memref<1x128x64xf32, #tpu.memory_space<vmem>>
    %dma_wait3A_100 = tpu.memref_squeeze %dma_wait3A_99 : memref<1x128x64xf32, #tpu.memory_space<vmem>> -> memref<128x64xf32, #tpu.memory_space<vmem>>
    %dma_wait3A_101 = arith.constant 0 : i32
    %dma_wait3A_102 = arith.constant 0 : i32
    %dma_wait3A_103 = tpu.memref_slice %arg4[%dma_wait3A_101, %dma_wait3A_102] : memref<819200x64xf32, #tpu.memory_space<hbm>> -> memref<128x64xf32, #tpu.memory_space<hbm>>
    %dma_wait3A_104 = arith.constant 0 : i32
    %dma_wait3A_105 = arith.constant 0 : i32
    %dma_wait3A_106 = tpu.memref_slice %arg4[%dma_wait3A_104, %dma_wait3A_105] : memref<819200x64xf32, #tpu.memory_space<hbm>> -> memref<128x64xf32, #tpu.memory_space<hbm>>
    %dma_wait3A_107 = arith.constant 0 : i32
    %dma_wait3A_108 = arith.constant 0 : i32
    %dma_wait3A_109 = tpu.memref_slice %arg6[%dma_wait3A_96, %dma_wait3A_107, %dma_wait3A_108] : memref<10x128x64xf32, #tpu.memory_space<vmem>> -> memref<1x128x64xf32, #tpu.memory_space<vmem>>
    %dma_wait3A_110 = tpu.memref_squeeze %dma_wait3A_109 : memref<1x128x64xf32, #tpu.memory_space<vmem>> -> memref<128x64xf32, #tpu.memory_space<vmem>>
    tpu.wait_dma2 semaphore(%arg9 : memref<!tpu.dma_semaphore, #tpu.memory_space<semaphore_mem>>) src(%dma_wait3A_110 : memref<128x64xf32, #tpu.memory_space<vmem>>) dst(%dma_wait3A_106 : memref<128x64xf32, #tpu.memory_space<hbm>>)
    %dma_wait3A_111 = arith.constant 3 : i32
    %dma_wait3A_112 = arith.constant 0 : i32
    %dma_wait3A_113 = arith.constant 0 : i32
    %dma_wait3A_114 = tpu.memref_slice %arg6[%dma_wait3A_111, %dma_wait3A_112, %dma_wait3A_113] : memref<10x128x64xf32, #tpu.memory_space<vmem>> -> memref<1x128x64xf32, #tpu.memory_space<vmem>>
    %dma_wait3A_115 = tpu.memref_squeeze %dma_wait3A_114 : memref<1x128x64xf32, #tpu.memory_space<vmem>> -> memref<128x64xf32, #tpu.memory_space<vmem>>
    %dma_wait3A_116 = arith.constant 0 : i32
    %dma_wait3A_117 = arith.constant 0 : i32
    %dma_wait3A_118 = tpu.memref_slice %arg4[%dma_wait3A_116, %dma_wait3A_117] : memref<819200x64xf32, #tpu.memory_space<hbm>> -> memref<128x64xf32, #tpu.memory_space<hbm>>
    %dma_wait3A_119 = arith.constant 0 : i32
    %dma_wait3A_120 = arith.constant 0 : i32
    %dma_wait3A_121 = tpu.memref_slice %arg4[%dma_wait3A_119, %dma_wait3A_120] : memref<819200x64xf32, #tpu.memory_space<hbm>> -> memref<128x64xf32, #tpu.memory_space<hbm>>
    %dma_wait3A_122 = arith.constant 0 : i32
    %dma_wait3A_123 = arith.constant 0 : i32
    %dma_wait3A_124 = tpu.memref_slice %arg6[%dma_wait3A_111, %dma_wait3A_122, %dma_wait3A_123] : memref<10x128x64xf32, #tpu.memory_space<vmem>> -> memref<1x128x64xf32, #tpu.memory_space<vmem>>
    %dma_wait3A_125 = tpu.memref_squeeze %dma_wait3A_124 : memref<1x128x64xf32, #tpu.memory_space<vmem>> -> memref<128x64xf32, #tpu.memory_space<vmem>>
    tpu.wait_dma2 semaphore(%arg9 : memref<!tpu.dma_semaphore, #tpu.memory_space<semaphore_mem>>) src(%dma_wait3A_125 : memref<128x64xf32, #tpu.memory_space<vmem>>) dst(%dma_wait3A_121 : memref<128x64xf32, #tpu.memory_space<hbm>>)
    %dma_wait3A_126 = arith.constant 4 : i32
    %dma_wait3A_127 = arith.constant 0 : i32
    %dma_wait3A_128 = arith.constant 0 : i32
    %dma_wait3A_129 = tpu.memref_slice %arg6[%dma_wait3A_126, %dma_wait3A_127, %dma_wait3A_128] : memref<10x128x64xf32, #tpu.memory_space<vmem>> -> memref<1x128x64xf32, #tpu.memory_space<vmem>>
    %dma_wait3A_130 = tpu.memref_squeeze %dma_wait3A_129 : memref<1x128x64xf32, #tpu.memory_space<vmem>> -> memref<128x64xf32, #tpu.memory_space<vmem>>
    %dma_wait3A_131 = arith.constant 0 : i32
    %dma_wait3A_132 = arith.constant 0 : i32
    %dma_wait3A_133 = tpu.memref_slice %arg4[%dma_wait3A_131, %dma_wait3A_132] : memref<819200x64xf32, #tpu.memory_space<hbm>> -> memref<128x64xf32, #tpu.memory_space<hbm>>
    %dma_wait3A_134 = arith.constant 0 : i32
    %dma_wait3A_135 = arith.constant 0 : i32
    %dma_wait3A_136 = tpu.memref_slice %arg4[%dma_wait3A_134, %dma_wait3A_135] : memref<819200x64xf32, #tpu.memory_space<hbm>> -> memref<128x64xf32, #tpu.memory_space<hbm>>
    %dma_wait3A_137 = arith.constant 0 : i32
    %dma_wait3A_138 = arith.constant 0 : i32
    %dma_wait3A_139 = tpu.memref_slice %arg6[%dma_wait3A_126, %dma_wait3A_137, %dma_wait3A_138] : memref<10x128x64xf32, #tpu.memory_space<vmem>> -> memref<1x128x64xf32, #tpu.memory_space<vmem>>
    %dma_wait3A_140 = tpu.memref_squeeze %dma_wait3A_139 : memref<1x128x64xf32, #tpu.memory_space<vmem>> -> memref<128x64xf32, #tpu.memory_space<vmem>>
    tpu.wait_dma2 semaphore(%arg9 : memref<!tpu.dma_semaphore, #tpu.memory_space<semaphore_mem>>) src(%dma_wait3A_140 : memref<128x64xf32, #tpu.memory_space<vmem>>) dst(%dma_wait3A_136 : memref<128x64xf32, #tpu.memory_space<hbm>>)
    %dma_wait3A_141 = arith.constant 5 : i32
    %dma_wait3A_142 = arith.constant 0 : i32
    %dma_wait3A_143 = arith.constant 0 : i32
    %dma_wait3A_144 = tpu.memref_slice %arg6[%dma_wait3A_141, %dma_wait3A_142, %dma_wait3A_143] : memref<10x128x64xf32, #tpu.memory_space<vmem>> -> memref<1x128x64xf32, #tpu.memory_space<vmem>>
    %dma_wait3A_145 = tpu.memref_squeeze %dma_wait3A_144 : memref<1x128x64xf32, #tpu.memory_space<vmem>> -> memref<128x64xf32, #tpu.memory_space<vmem>>
    %dma_wait3A_146 = arith.constant 0 : i32
    %dma_wait3A_147 = arith.constant 0 : i32
    %dma_wait3A_148 = tpu.memref_slice %arg4[%dma_wait3A_146, %dma_wait3A_147] : memref<819200x64xf32, #tpu.memory_space<hbm>> -> memref<128x64xf32, #tpu.memory_space<hbm>>
    %dma_wait3A_149 = arith.constant 0 : i32
    %dma_wait3A_150 = arith.constant 0 : i32
    %dma_wait3A_151 = tpu.memref_slice %arg4[%dma_wait3A_149, %dma_wait3A_150] : memref<819200x64xf32, #tpu.memory_space<hbm>> -> memref<128x64xf32, #tpu.memory_space<hbm>>
    %dma_wait3A_152 = arith.constant 0 : i32
    %dma_wait3A_153 = arith.constant 0 : i32
    %dma_wait3A_154 = tpu.memref_slice %arg6[%dma_wait3A_141, %dma_wait3A_152, %dma_wait3A_153] : memref<10x128x64xf32, #tpu.memory_space<vmem>> -> memref<1x128x64xf32, #tpu.memory_space<vmem>>
    %dma_wait3A_155 = tpu.memref_squeeze %dma_wait3A_154 : memref<1x128x64xf32, #tpu.memory_space<vmem>> -> memref<128x64xf32, #tpu.memory_space<vmem>>
    tpu.wait_dma2 semaphore(%arg10 : memref<!tpu.dma_semaphore, #tpu.memory_space<semaphore_mem>>) src(%dma_wait3A_155 : memref<128x64xf32, #tpu.memory_space<vmem>>) dst(%dma_wait3A_151 : memref<128x64xf32, #tpu.memory_space<hbm>>)
    %dma_wait3A_156 = arith.constant 6 : i32
    %dma_wait3A_157 = arith.constant 0 : i32
    %dma_wait3A_158 = arith.constant 0 : i32
    %dma_wait3A_159 = tpu.memref_slice %arg6[%dma_wait3A_156, %dma_wait3A_157, %dma_wait3A_158] : memref<10x128x64xf32, #tpu.memory_space<vmem>> -> memref<1x128x64xf32, #tpu.memory_space<vmem>>
    %dma_wait3A_160 = tpu.memref_squeeze %dma_wait3A_159 : memref<1x128x64xf32, #tpu.memory_space<vmem>> -> memref<128x64xf32, #tpu.memory_space<vmem>>
    %dma_wait3A_161 = arith.constant 0 : i32
    %dma_wait3A_162 = arith.constant 0 : i32
    %dma_wait3A_163 = tpu.memref_slice %arg4[%dma_wait3A_161, %dma_wait3A_162] : memref<819200x64xf32, #tpu.memory_space<hbm>> -> memref<128x64xf32, #tpu.memory_space<hbm>>
    %dma_wait3A_164 = arith.constant 0 : i32
    %dma_wait3A_165 = arith.constant 0 : i32
    %dma_wait3A_166 = tpu.memref_slice %arg4[%dma_wait3A_164, %dma_wait3A_165] : memref<819200x64xf32, #tpu.memory_space<hbm>> -> memref<128x64xf32, #tpu.memory_space<hbm>>
    %dma_wait3A_167 = arith.constant 0 : i32
    %dma_wait3A_168 = arith.constant 0 : i32
    %dma_wait3A_169 = tpu.memref_slice %arg6[%dma_wait3A_156, %dma_wait3A_167, %dma_wait3A_168] : memref<10x128x64xf32, #tpu.memory_space<vmem>> -> memref<1x128x64xf32, #tpu.memory_space<vmem>>
    %dma_wait3A_170 = tpu.memref_squeeze %dma_wait3A_169 : memref<1x128x64xf32, #tpu.memory_space<vmem>> -> memref<128x64xf32, #tpu.memory_space<vmem>>
    tpu.wait_dma2 semaphore(%arg10 : memref<!tpu.dma_semaphore, #tpu.memory_space<semaphore_mem>>) src(%dma_wait3A_170 : memref<128x64xf32, #tpu.memory_space<vmem>>) dst(%dma_wait3A_166 : memref<128x64xf32, #tpu.memory_space<hbm>>)
    %dma_wait3A_171 = arith.constant 7 : i32
    %dma_wait3A_172 = arith.constant 0 : i32
    %dma_wait3A_173 = arith.constant 0 : i32
    %dma_wait3A_174 = tpu.memref_slice %arg6[%dma_wait3A_171, %dma_wait3A_172, %dma_wait3A_173] : memref<10x128x64xf32, #tpu.memory_space<vmem>> -> memref<1x128x64xf32, #tpu.memory_space<vmem>>
    %dma_wait3A_175 = tpu.memref_squeeze %dma_wait3A_174 : memref<1x128x64xf32, #tpu.memory_space<vmem>> -> memref<128x64xf32, #tpu.memory_space<vmem>>
    %dma_wait3A_176 = arith.constant 0 : i32
    %dma_wait3A_177 = arith.constant 0 : i32
    %dma_wait3A_178 = tpu.memref_slice %arg4[%dma_wait3A_176, %dma_wait3A_177] : memref<819200x64xf32, #tpu.memory_space<hbm>> -> memref<128x64xf32, #tpu.memory_space<hbm>>
    %dma_wait3A_179 = arith.constant 0 : i32
    %dma_wait3A_180 = arith.constant 0 : i32
    %dma_wait3A_181 = tpu.memref_slice %arg4[%dma_wait3A_179, %dma_wait3A_180] : memref<819200x64xf32, #tpu.memory_space<hbm>> -> memref<128x64xf32, #tpu.memory_space<hbm>>
    %dma_wait3A_182 = arith.constant 0 : i32
    %dma_wait3A_183 = arith.constant 0 : i32
    %dma_wait3A_184 = tpu.memref_slice %arg6[%dma_wait3A_171, %dma_wait3A_182, %dma_wait3A_183] : memref<10x128x64xf32, #tpu.memory_space<vmem>> -> memref<1x128x64xf32, #tpu.memory_space<vmem>>
    %dma_wait3A_185 = tpu.memref_squeeze %dma_wait3A_184 : memref<1x128x64xf32, #tpu.memory_space<vmem>> -> memref<128x64xf32, #tpu.memory_space<vmem>>
    tpu.wait_dma2 semaphore(%arg10 : memref<!tpu.dma_semaphore, #tpu.memory_space<semaphore_mem>>) src(%dma_wait3A_185 : memref<128x64xf32, #tpu.memory_space<vmem>>) dst(%dma_wait3A_181 : memref<128x64xf32, #tpu.memory_space<hbm>>)
    %dma_wait3A_186 = arith.constant 8 : i32
    %dma_wait3A_187 = arith.constant 0 : i32
    %dma_wait3A_188 = arith.constant 0 : i32
    %dma_wait3A_189 = tpu.memref_slice %arg6[%dma_wait3A_186, %dma_wait3A_187, %dma_wait3A_188] : memref<10x128x64xf32, #tpu.memory_space<vmem>> -> memref<1x128x64xf32, #tpu.memory_space<vmem>>
    %dma_wait3A_190 = tpu.memref_squeeze %dma_wait3A_189 : memref<1x128x64xf32, #tpu.memory_space<vmem>> -> memref<128x64xf32, #tpu.memory_space<vmem>>
    %dma_wait3A_191 = arith.constant 0 : i32
    %dma_wait3A_192 = arith.constant 0 : i32
    %dma_wait3A_193 = tpu.memref_slice %arg4[%dma_wait3A_191, %dma_wait3A_192] : memref<819200x64xf32, #tpu.memory_space<hbm>> -> memref<128x64xf32, #tpu.memory_space<hbm>>
    %dma_wait3A_194 = arith.constant 0 : i32
    %dma_wait3A_195 = arith.constant 0 : i32
    %dma_wait3A_196 = tpu.memref_slice %arg4[%dma_wait3A_194, %dma_wait3A_195] : memref<819200x64xf32, #tpu.memory_space<hbm>> -> memref<128x64xf32, #tpu.memory_space<hbm>>
    %dma_wait3A_197 = arith.constant 0 : i32
    %dma_wait3A_198 = arith.constant 0 : i32
    %dma_wait3A_199 = tpu.memref_slice %arg6[%dma_wait3A_186, %dma_wait3A_197, %dma_wait3A_198] : memref<10x128x64xf32, #tpu.memory_space<vmem>> -> memref<1x128x64xf32, #tpu.memory_space<vmem>>
    %dma_wait3A_200 = tpu.memref_squeeze %dma_wait3A_199 : memref<1x128x64xf32, #tpu.memory_space<vmem>> -> memref<128x64xf32, #tpu.memory_space<vmem>>
    tpu.wait_dma2 semaphore(%arg10 : memref<!tpu.dma_semaphore, #tpu.memory_space<semaphore_mem>>) src(%dma_wait3A_200 : memref<128x64xf32, #tpu.memory_space<vmem>>) dst(%dma_wait3A_196 : memref<128x64xf32, #tpu.memory_space<hbm>>)
    %dma_wait3A_201 = arith.constant 9 : i32
    %dma_wait3A_202 = arith.constant 0 : i32
    %dma_wait3A_203 = arith.constant 0 : i32
    %dma_wait3A_204 = tpu.memref_slice %arg6[%dma_wait3A_201, %dma_wait3A_202, %dma_wait3A_203] : memref<10x128x64xf32, #tpu.memory_space<vmem>> -> memref<1x128x64xf32, #tpu.memory_space<vmem>>
    %dma_wait3A_205 = tpu.memref_squeeze %dma_wait3A_204 : memref<1x128x64xf32, #tpu.memory_space<vmem>> -> memref<128x64xf32, #tpu.memory_space<vmem>>
    %dma_wait3A_206 = arith.constant 0 : i32
    %dma_wait3A_207 = arith.constant 0 : i32
    %dma_wait3A_208 = tpu.memref_slice %arg4[%dma_wait3A_206, %dma_wait3A_207] : memref<819200x64xf32, #tpu.memory_space<hbm>> -> memref<128x64xf32, #tpu.memory_space<hbm>>
    %dma_wait3A_209 = arith.constant 0 : i32
    %dma_wait3A_210 = arith.constant 0 : i32
    %dma_wait3A_211 = tpu.memref_slice %arg4[%dma_wait3A_209, %dma_wait3A_210] : memref<819200x64xf32, #tpu.memory_space<hbm>> -> memref<128x64xf32, #tpu.memory_space<hbm>>
    %dma_wait3A_212 = arith.constant 0 : i32
    %dma_wait3A_213 = arith.constant 0 : i32
    %dma_wait3A_214 = tpu.memref_slice %arg6[%dma_wait3A_201, %dma_wait3A_212, %dma_wait3A_213] : memref<10x128x64xf32, #tpu.memory_space<vmem>> -> memref<1x128x64xf32, #tpu.memory_space<vmem>>
    %dma_wait3A_215 = tpu.memref_squeeze %dma_wait3A_214 : memref<1x128x64xf32, #tpu.memory_space<vmem>> -> memref<128x64xf32, #tpu.memory_space<vmem>>
    tpu.wait_dma2 semaphore(%arg10 : memref<!tpu.dma_semaphore, #tpu.memory_space<semaphore_mem>>) src(%dma_wait3A_215 : memref<128x64xf32, #tpu.memory_space<vmem>>) dst(%dma_wait3A_211 : memref<128x64xf32, #tpu.memory_space<hbm>>)
    return
  }
}

</mosaic_0001>

<sc_bundles>
// kernel: kernel.3.cloned.1.call-start
scs
__scs_entry_jumppad:
0x0: {  	(pc) =	sbr.rel $0x88, $3  }
0x1: {  	(tag) =	ssettag $0x0;
	lr =	simm.s32 $0x1  }
0x2: {  	[smem:$0x3F9F] =	sst lr;
	_ =	strace $0xD0000000  }
0x3: {  	_ = 	snop  }
0x4: {  	_ = 	snop  }
0x5: {  	_ = 	snop  }
0x6: {  	_ = 	snop  }
0x7: {  	_ = 	snop  }
__scs_overlays_trampoline_lowered:
0x8: {  	[smem:$0x3FAE] =	sst s0  }
0x9: {  	[smem:$0x3FAF] =	sst s1  }
0xa: {  	[smem:$0x3FB0] =	sst s2  }
0xb: {  	[smem:$0x3FB1] =	sst s3  }
0xc: {  	[smem:$0x3FB2] =	sst s4  }
0xd: {  	[smem:$0x3FB3] =	sst s5  }
0xe: {  	[smem:$0x3FB4] =	sst s6  }
0xf: {  	[smem:$0x3FB5] =	sst s7  }
0x10: {  	[smem:$0x3FB6] =	sst s8  }
0x11: {  	[smem:$0x3FB7] =	sst s9;
	s0 =	simm.s32 @!p0 $0x0  }
0x12: {  	s1 =	sld [smem:$0x3F9D];
	s0 =	simm.s32 @p0 $0x1  }
0x13: {  	[smem:$0x3FB8] =	sst s0;
	s0 =	simm.s32 @!p1 $0x0  }
0x14: {  	s2 =	sld [smem:$0x3F9C];
	s0 =	simm.s32 @p1 $0x1  }
0x15: {  	[smem:$0x3FB9] =	sst s0;
	s0 =	simm.s32 @!p2 $0x0  }
0x16: {  	s3 =	sld [smem:$0x3FDB];
	s0 =	simm.s32 @p2 $0x1  }
0x17: {  	s4 =	simm.s32 $0x1BF5;
	[smem:$0x3FBB] =	sst s0  }
0x18: {  	s0 =	sld [smem:$0x3F9E];
	_ =	swait.ge [sflag:s4], $0x0  }
0x19: {  	s7 =	sld [smem:$0x3F9F]  }
0x1a: {  	s8 =	sadd.s32 $0xFFFFE003, lr  }
0x1b: {  	s9 =	sadd.s32 $0xFFFFFEF7, lr;
	s5 =	simm.s32 $0xFFFFFFFF;
	p2 =	slt.u32 s8, $0xFFFFF086  }
0x1c: {  	p1 =	slt.u32 s9, $0xF7A;
	s5 =	simm.s32 @!p2 $0x0  }
0x1d: {  	s5 =	simm.s32 @p1 $0x1;
	p0 =	seq.s32 s7, s2  }
0x1e: {  	s7 =	smul.u32 @!p0 $0xF7A, s2;
	p2 =	seq.s32 @!p0 s5, $0x0  }
0x1f: {  	s9 =	smul.u32 $0xF7A, s1;
	s8 =	simm.s32 @!p0 $0x1BF5;
	p2 =	por !p2, p0  }
0x20: {  	[sflag:s8] =	ssyncset.s32 @!p0 $0xFFFFF086;
	s6 =	sadd.s32 @!p0 s3, s7;
	s7 =	simm.s32 @!p0 $0x108  }
0x21: {  	s3 =	sadd.s32 s3, s9;
	s6 =	sadd.s32 @!p0 $0x88, s6;
	s7 =	simm.s32 @p2 $0x1082  }
0x22: {  	[simem:s7], [sflag:s8] =	dma.local @!p0 [hbm:s6], $0xF7A  }
0x23: {  	s9 =	sor.u32 $0xD0000000, s2;
	s6 =	simm.s32 $0x108;
	_ =	swait.ge @!p0 [sflag:s8], $0x0  }
0x24: {  	s3 =	sadd.s32 $0x88, s3;
	s6 =	simm.s32 @!p1 $0x1082;
	[sflag:s4] =	ssyncset.s32 $0xFFFFF086  }
0x25: {  	[simem:s6], [sflag:s4] =	dma.local [hbm:s3], $0xF7A  }
0x26: {  	[smem:$0x3F9F] =	sst s1;
	(tag) =	ssettag s2;
	_ =	strace s9  }
0x27: {  	s1 =	sld [smem:$0x3FAF]  }
0x28: {  	s2 =	sld [smem:$0x3FB0]  }
0x29: {  	s4 =	sld [smem:$0x3FB2]  }
0x2a: {  	p0 =	seq.s32 s5, $0x0;
	s5 =	sld [smem:$0x3FB3]  }
0x2b: {  	s6 =	sld [smem:$0x3FB4]  }
0x2c: {  	s7 =	sld [smem:$0x3FB5]  }
0x2d: {  	s3 =	simm.s32 $0x108;
	s8 =	sld [smem:$0x3FB6]  }
0x2e: {  	s3 =	simm.s32 @!p0 $0x1082;
	s9 =	sld [smem:$0x3FB7]  }
0x2f: {  	lr =	sadd.s32 s0, s3;
	s0 =	sld [smem:$0x3FAE]  }
0x30: {  	s3 =	sld [smem:$0x3FB1]  }
0x31: {  	[smem:$0x3FBA] =	sst s10  }
0x32: {  	s10 =	sld [smem:$0x3FB8];
	_ =	sdelay $0x3  }
0x33: {  	p0 =	seq.s32 s10, $0x1;
	s10 =	sld [smem:$0x3FBA];
	_ =	sdelay $0x3  }
0x34: {  	[smem:$0x3FBA] =	sst s10  }
0x35: {  	s10 =	sld [smem:$0x3FB9];
	_ =	sdelay $0x3  }
0x36: {  	p1 =	seq.s32 s10, $0x1;
	s10 =	sld [smem:$0x3FBA];
	_ =	sdelay $0x3  }
0x37: {  	[smem:$0x3FBA] =	sst s10  }
0x38: {  	s10 =	sld [smem:$0x3FBB]  }
0x39: {  	_ = 	snop;
	(pc) =	sbr.ind lr, $3  }
0x3a: {  	_ = 	snop  }
0x3b: {  	_ = 	snop  }
0x3c: {  	p2 =	seq.s32 s10, $0x1;
	s10 =	sld [smem:$0x3FBA]  }
0x3d: {  	_ =	shalt  }
0x3e: {  	_ =	shalt  }
0x3f: {  	_ =	shalt  }
0x40: {  	_ =	shalt  }
0x41: {  	_ =	shalt  }
0x42: {  	_ =	shalt  }
0x43: {  	_ =	shalt  }
0x44: {  	_ =	shalt  }
0x45: {  	_ =	shalt  }
0x46: {  	_ =	shalt  }
0x47: {  	_ =	shalt  }
0x48: {  	_ =	shalt  }
0x49: {  	_ =	shalt  }
0x4a: {  	_ =	shalt  }
0x4b: {  	_ =	shalt  }
0x4c: {  	_ =	shalt  }
0x4d: {  	_ =	shalt  }
0x4e: {  	_ =	shalt  }
0x4f: {  	_ =	shalt  }
0x50: {  	_ =	shalt  }
0x51: {  	_ =	shalt  }
0x52: {  	_ =	shalt  }
0x53: {  	_ =	shalt  }
0x54: {  	_ =	shalt  }
0x55: {  	_ =	shalt  }
0x56: {  	_ =	shalt  }
0x57: {  	_ =	shalt  }
0x58: {  	_ =	shalt  }
0x59: {  	_ =	shalt  }
0x5a: {  	_ =	shalt  }
0x5b: {  	_ =	shalt  }
0x5c: {  	_ =	shalt  }
0x5d: {  	_ =	shalt  }
0x5e: {  	_ =	shalt  }
0x5f: {  	_ =	shalt  }
0x60: {  	_ =	shalt  }
0x61: {  	_ =	shalt  }
0x62: {  	_ =	shalt  }
0x63: {  	_ =	shalt  }
0x64: {  	_ =	shalt  }
0x65: {  	_ =	shalt  }
0x66: {  	_ =	shalt  }
0x67: {  	_ =	shalt  }
0x68: {  	_ =	shalt  }
0x69: {  	_ =	shalt  }
0x6a: {  	_ =	shalt  }
0x6b: {  	_ =	shalt  }
0x6c: {  	_ =	shalt  }
0x6d: {  	_ =	shalt  }
0x6e: {  	_ =	shalt  }
0x6f: {  	_ =	shalt  }
0x70: {  	_ =	shalt  }
0x71: {  	_ =	shalt  }
0x72: {  	_ =	shalt  }
0x73: {  	_ =	shalt  }
0x74: {  	_ =	shalt  }
0x75: {  	_ =	shalt  }
0x76: {  	_ =	shalt  }
0x77: {  	_ =	shalt  }
0x78: {  	_ =	shalt  }
0x79: {  	_ =	shalt  }
0x7a: {  	_ =	shalt  }
0x7b: {  	_ =	shalt  }
0x7c: {  	_ =	shalt  }
0x7d: {  	_ =	shalt  }
0x7e: {  	_ =	shalt  }
0x7f: {  	_ =	shalt  }
0x80: {  	_ =	shalt  }
0x81: {  	_ =	shalt  }
0x82: {  	_ =	shalt  }
0x83: {  	_ =	shalt  }
0x84: {  	_ =	shalt  }
0x85: {  	_ =	shalt  }
0x86: {  	_ =	shalt  }
0x87: {  	_ =	shalt  }
.Lfunc_end0:
.L_simem_size_0:
called_computation.1_lowered:
.L_overlay_start_0:
0x88: {  	s2 =	sld [smem:$0x3FD9]  }
0x89: {  	s3 =	sld [smem:$0x3FFE];
	_ =	sdelay $0x1  }
0x8a: {  	s1 =	srdreg.scid  }
0x8b: {  	s0 =	sand.u32 $0x1, s1  }
0x8c: {  	s17 =	sshll.u32 s0, $0xA;
	s2 =	sadd.s32 s3, s2  }
0x8d: {  	s2 =	sadd.s32 s2, s17  }
0x8e: {  	[smem:$0x3FC6] =	sst s2  }
0x8f: {  	_ = 	snop  }
0x90: {  	s2 =	sld [smem:$0x3FD0];
	(tm) =	ssettm $0x1  }
0x91: {  	s18 =	sld [smem:$0x3FFB];
	_ =	sdelay $0x3  }
0x92: {  	_ =	strace s18  }
0x93: {  	s3 =	sld [smem:$0x3FFC];
	_ =	sdelay $0x3  }
0x94: {  	_ =	strace s3  }
0x95: {  	s3 =	sld [smem:$0x3FFD];
	_ =	sdelay $0x3  }
0x96: {  	_ =	strace s3  }
0x97: {  	_ =	strace $0x8FFFFFFF  }
0x98: {  	s19 =	sld [smem:$0x3FDB];
	_ =	sdelay $0x1  }
0x99: {  	s4 =	simm.s32 $_scs_section_size  }
0x9a: {  	s5 =	simm.s32 $_size__tile_overlayer_lowered;
	s6 =	simm.s32 $_tile_overlayer_lowered  }
0x9b: {  	s22 =	simm.s32 $0x1BFF;
	s21 =	sshll.u32 s6, $0x1;
	s3 =	sadd.s32 s4, s19  }
0x9c: {  	s7 =	simm.s32 $0x0;
	s20 =	sshll.u32 s5, $0x1;
	s5 =	sadd.s32 s21, s3  }
0x9d: {  	[timem:s7], [sflag:s22] =	dma.local [hbm:s5], s20  }
0x9e: {  	_ =	swait.ge [sflag:s22], s20  }
0x9f: {  	s4 =	ssub.s32 $0x0, s20;
	[sflag:s22] =	ssyncset.done $0x0  }
0xa0: {  	[sflag:s22] =	ssyncadd.s32 s4;
	_ =	sdelay $0x1  }
0xa1: {  	s23 =	simm.s32 $0x1B8B  }
0xa2: {  	_ =	swait.ge [sflag:s23], $0x1  }
0xa3: {  	[sflag:s23] =	ssyncset.done $0x0  }
0xa4: {  	s25 =	simm.s32 $0x1B8E;
	s24 =	sld [smem:$0x3FFE];
	[sflag:s23] =	ssyncadd.s32 $0xFFFFFFFF  }
0xa5: {  	s26 =	simm.s32 $execute0_lowered;
	[smem:$0x3FD2] =	sst s25  }
0xa6: {  	s5 =	sshll.u32 s26, $0x1;
	_ =	strace $0x80000046;
	[dreg:$0x1] =	wrdreg $0xFFFFFFFF  }
0xa7: {  	s28 =	simm.s32 $_size_execute0_lowered;
	s3 =	sadd.s32 s3, s5;
	[dreg:$0x0] =	wrdreg $0x0  }
0xa8: {  	s5 =	sshll.u32 s28, $0x1;
	[dreg:$0x2] =	wrdreg s3  }
0xa9: {  	[dreg:$0x3] =	wrdreg s5  }
0xaa: {  	[dreg:$0x4] =	wrdreg $0xC0  }
0xab: {  	_ =	task [dreg:s7], $0x5FFFF  }
0xac: {  	[dreg:$0x1] =	wrdreg $0xFFFFFFFF  }
0xad: {  	[dreg:$0x0] =	wrdreg $0x60  }
0xae: {  	[dreg:$0x2] =	wrdreg s24  }
0xaf: {  	[dreg:$0x3] =	wrdreg s2  }
0xb0: {  	[dreg:$0x4] =	wrdreg $0x9  }
0xb1: {  	_ =	task.clear_ibuf [dreg:s7], $0x5FFFF;
	_ =	strace $0x90000046  }
0xb2: {  	s29 =	simm.s32 $0x9;
	_ =	strace $0x80000048  }
0xb3: {  	_ =	swait.ge [sflag:s29], $0x1  }
0xb4: {  	[sflag:s29] =	ssyncadd.s32 $0xFFFFFFFF  }
0xb5: {  	_ =	strace $0x90000048  }
0xb6: {  	_ =	sfence  }
0xb7: {  	s30 =	sld [smem:$0x0];
	_ =	sdelay $0x2  }
0xb8: {  	s31 =	sshll.u32 s1, $0xD;
	s1 =	sshrl.u32 s1, $0x2  }
0xb9: {  	s3 =	sand.u32 $0x4000, s31;
	s1 =	sadd.s32 s1, s30  }
0xba: {  	s0 =	sor.u32 s3, s0;
	s1 =	sshll.u32 s1, $0x11  }
0xbb: {  	s0 =	sor.u32 s1, s0  }
0xbc: {  	s0 =	sadd.s32 $0x8F2B, s0  }
0xbd: {  	[sflag:s0] =	ssyncadd.remote.s32 $0x1  }
0xbe: {  	_ =	sfence.sel $0xFFFF  }
0xbf: {  	[dreg:$0x0] =	wrdreg $0xFFFFFFFF;
	(pc) =	sbr.abs _section_cstart, $3  }
0xc0: {  	[dreg:$0x1] =	wrdreg $0xFFFFFFFF  }
0xc1: {  	_ =	task.clear_ibuf [dreg:s7], $0x2FFFF;
	_ =	strace $0x9FFFFFFF  }
0xc2: {  	(tm) =	ssettm $0x7FFFFFFF  }
0xc3: {  	_ =	shalt  }
tec
execute0_lowered:
.L_overlay_start_1:
0x0: {  	(tag) =	ssettag $0x1  }
0x1: {  	s0 =	srdreg.scid  }
0x2: {  	s2 =	stileid.u32;
	s4 =	rddreg [dreg:$0x0]  }
0x3: {  	s3 =	simm.s32 $0x0;
	s10 =	simm.s32 $0x8400;
	s12 =	simm.s32 $0xA400  }
0x4: {  	s14 =	simm.s32 $0xC400;
	s16 =	simm.s32 $0xE400;
	s17 =	simm.s32 $0x10400  }
0x5: {  	s18 =	simm.s32 $0x12400;
	s19 =	simm.s32 $0x14400;
	s20 =	simm.s32 $0x16400  }
0x6: {  	s21 =	simm.s32 $0x18400;
	s22 =	simm.s32 $0x1;
	s23 =	simm.s32 $0x2  }
0x7: {  	s24 =	simm.s32 $0x3;
	s25 =	simm.s32 $0x4;
	s6 =	smul.u32 $0x64000, s2  }
0x8: {  	s26 =	simm.s32 $0x0;
	s0 =	sand.u32 $0x1, s0;
	s5 =	smul.u32 $0x190, s2  }
0x9: {  	s1 =	sshll.u32 s2, $0x1;
	[smem:$0x7FF] =	sst s3;
	s8 =	smul.u32 $0xC8, s0  }
0xa: {  	s1 =	sor.u32 s0, s1;
	s7 =	ssub.s32 $0x2, s0;
	s0 =	smul.u32 $0x32000, s0  }
0xb: {  	_ =	strace $0x80000047;
	s1 =	smul.u32 $0xC80, s1;
	s9 =	sshrl.u32 s7, $0x1  }
0xc: {  	s7 =	ssub.s32 s7, s9;
	s8 =	sadd.s32 s8, s5;
	s0 =	sadd.s32 s0, s6  }
0xd: {  	s1 =	sadd.s32 s1, s4;
	s30 =	smax.u32 s7, $0x1;
	[dreg:$0x3] =	wrdreg s0  }
0xe: {  	s29 =	sshll.u32 s8, $0xA;
	s1 =	sadd.s32 $0xA00, s1;
	[dreg:$0x6] =	wrdreg s30  }
0xf: {  	s9 =	simm.s32 $0x6400;
	s31 =	sor.u32 $0x1400, s29;
	[dreg:$0x5] =	wrdreg s1  }
0x10: {  	s4 =	sadd.s32 $0xF42E00, s4;
	s8 =	simm.s32 $0x80;
	[dreg:$0x4] =	wrdreg s31  }
.LBB2_1:
0x11: {  	s0 =	rddreg [dreg:$0x5];
	s11 =	simm.s32 $0x5  }
0x12: {  	[tilespmem:s3], [sflag:$0x5] =	stream.linear.gather [hbm4b:s0+s3], $0x6400, $0x38;
	[tilespmem:$0x1A400] =	vst v63  }
0x13: {  	_ =	swait.ge [sflag:s11], $0x6400  }
0x14: {  	[sflag:s11] =	ssyncset.done $0x0  }
0x15: {  	[sflag:s11] =	ssyncadd.s32 $0xFFFF9C00  }
0x16: {  	[tilespmem:s9], [sflag:$0x1] =	stream.indirect.gather [hbm4b:s4+s8], $0x40, s3, s8, $0xb8;
	[tilespmem:$0x1A400] =	vst v63  }
0x17: {  	_ = 	snop  }
0x18: {  	[tilespmem:s10], [sflag:$0x1] =	stream.indirect.gather [hbm4b:s4+s8], $0x40, s8, s8, $0xb8;
	[tilespmem:$0x1A400] =	vst v63  }
0x19: {  	s13 =	simm.s32 $0x100;
	p0 =	por $0x1, $0x1  }
0x1a: {  	[tilespmem:s12], [sflag:$0x1] =	stream.indirect.gather [hbm4b:s4+s8], $0x40, s13, s8, $0xb8;
	[tilespmem:$0x1A400] =	vst v63  }
0x1b: {  	s15 =	simm.s32 $0x180;
	p0 =	por p0, p0  }
0x1c: {  	[tilespmem:s14], [sflag:$0x1] =	stream.indirect.gather [hbm4b:s4+s8], $0x40, s15, s8, $0xb8;
	[tilespmem:$0x1A400] =	vst v63  }
0x1d: {  	s1 =	simm.s32 $0x200;
	s0 =	simm.s32 @!p0 $0x4  }
0x1e: {  	[tilespmem:s16], [sflag:$0x1] =	stream.indirect.gather [hbm4b:s4+s8], $0x40, s1, s8, $0xb8;
	[tilespmem:$0x1A400] =	vst v63  }
0x1f: {  	_ =	swait.ge @!p0 [sflag:s0], $0x2000  }
0x20: {  	[sflag:s0] =	ssyncset.done @!p0 $0x0  }
0x21: {  	[sflag:s0] =	ssyncadd.s32 @!p0 $0xFFFFE000  }
0x22: {  	_ =	swait.ge @!p0 [sflag:s0], $0x2000  }
0x23: {  	[sflag:s0] =	ssyncset.done @!p0 $0x0  }
0x24: {  	[sflag:s0] =	ssyncadd.s32 @!p0 $0xFFFFE000  }
0x25: {  	_ =	swait.ge @!p0 [sflag:s0], $0x2000  }
0x26: {  	[sflag:s0] =	ssyncset.done @!p0 $0x0  }
0x27: {  	[sflag:s0] =	ssyncadd.s32 @!p0 $0xFFFFE000  }
0x28: {  	_ =	swait.ge @!p0 [sflag:s0], $0x2000  }
0x29: {  	[sflag:s0] =	ssyncset.done @!p0 $0x0  }
0x2a: {  	[sflag:s0] =	ssyncadd.s32 @!p0 $0xFFFFE000  }
0x2b: {  	_ =	swait.ge @!p0 [sflag:s0], $0x2000  }
0x2c: {  	[sflag:s0] =	ssyncset.done @!p0 $0x0  }
0x2d: {  	s2 =	simm.s32 $0x280;
	[sflag:s0] =	ssyncadd.s32 @!p0 $0xFFFFE000  }
0x2e: {  	[tilespmem:s17], [sflag:$0x2] =	stream.indirect.gather [hbm4b:s4+s8], $0x40, s2, s8, $0xb8;
	[tilespmem:$0x1A400] =	vst v63  }
0x2f: {  	s5 =	simm.s32 $0x300  }
0x30: {  	[tilespmem:s18], [sflag:$0x2] =	stream.indirect.gather [hbm4b:s4+s8], $0x40, s5, s8, $0xb8;
	[tilespmem:$0x1A400] =	vst v63  }
0x31: {  	s6 =	simm.s32 $0x380  }
0x32: {  	[tilespmem:s19], [sflag:$0x2] =	stream.indirect.gather [hbm4b:s4+s8], $0x40, s6, s8, $0xb8;
	[tilespmem:$0x1A400] =	vst v63  }
0x33: {  	s7 =	simm.s32 $0x400  }
0x34: {  	[tilespmem:s20], [sflag:$0x2] =	stream.indirect.gather [hbm4b:s4+s8], $0x40, s7, s8, $0xb8;
	[tilespmem:$0x1A400] =	vst v63  }
0x35: {  	s11 =	simm.s32 $0x480  }
0x36: {  	[tilespmem:s21], [sflag:$0x2] =	stream.indirect.gather [hbm4b:s4+s8], $0x40, s11, s8, $0xb8;
	[tilespmem:$0x1A400] =	vst v63  }
0x37: {  	_ =	swait.ge [sflag:s22], $0x2000  }
0x38: {  	[sflag:s22] =	ssyncset.done $0x0  }
0x39: {  	[sflag:s22] =	ssyncadd.s32 $0xFFFFE000  }
0x3a: {  	_ =	swait.ge [sflag:s22], $0x2000  }
0x3b: {  	[sflag:s22] =	ssyncset.done $0x0  }
0x3c: {  	[sflag:s22] =	ssyncadd.s32 $0xFFFFE000  }
0x3d: {  	_ =	swait.ge [sflag:s22], $0x2000  }
0x3e: {  	[sflag:s22] =	ssyncset.done $0x0  }
0x3f: {  	[sflag:s22] =	ssyncadd.s32 $0xFFFFE000  }
0x40: {  	_ =	swait.ge [sflag:s22], $0x2000  }
0x41: {  	[sflag:s22] =	ssyncset.done $0x0  }
0x42: {  	[sflag:s22] =	ssyncadd.s32 $0xFFFFE000  }
0x43: {  	_ =	swait.ge [sflag:s22], $0x2000  }
0x44: {  	[sflag:s22] =	ssyncset.done $0x0  }
0x45: {  	s13 =	rddreg [dreg:$0x3];
	[sflag:s22] =	ssyncadd.s32 $0xFFFFE000  }
0x46: {  	s2 =	rddreg [dreg:$0x1]  }
0x47: {  	s0 =	sadd.s32 s2, s13  }
0x48: {  	[hbm4b:s0+s3] =	stream.linear.scatter [tilespmem:s9], [sflag:$0x3], $0x2000, $0x38;
	[tilespmem:$0x1A400] =	vst v63  }
0x49: {  	s1 =	sadd.s32 $0x400, s0  }
0x4a: {  	[hbm4b:s1+s3] =	stream.linear.scatter [tilespmem:s10], [sflag:$0x3], $0x2000, $0x38;
	[tilespmem:$0x1A400] =	vst v63  }
0x4b: {  	s15 =	sadd.s32 $0x800, s0  }
0x4c: {  	[hbm4b:s15+s3] =	stream.linear.scatter [tilespmem:s12], [sflag:$0x3], $0x2000, $0x38;
	[tilespmem:$0x1A400] =	vst v63  }
0x4d: {  	p0 =	por $0x0, $0x0;
	s5 =	sadd.s32 $0xC00, s0  }
0x4e: {  	[hbm4b:s5+s3] =	stream.linear.scatter [tilespmem:s14], [sflag:$0x3], $0x2000, $0x38;
	[tilespmem:$0x1A400] =	vst v63  }
0x4f: {  	s6 =	sadd.s32 $0x1000, s0;
	s1 =	simm.s32 @!p0 $0x3  }
0x50: {  	[hbm4b:s6+s3] =	stream.linear.scatter [tilespmem:s16], [sflag:$0x3], $0x2000, $0x38;
	[tilespmem:$0x1A400] =	vst v63  }
0x51: {  	_ =	swait.ge @!p0 [sflag:s1], $0x2000  }
0x52: {  	[sflag:s1] =	ssyncset.done @!p0 $0x0  }
0x53: {  	[sflag:s1] =	ssyncadd.s32 @!p0 $0xFFFFE000  }
0x54: {  	_ =	swait.ge @!p0 [sflag:s1], $0x2000  }
0x55: {  	[sflag:s1] =	ssyncset.done @!p0 $0x0  }
0x56: {  	[sflag:s1] =	ssyncadd.s32 @!p0 $0xFFFFE000  }
0x57: {  	_ =	swait.ge @!p0 [sflag:s1], $0x2000  }
0x58: {  	[sflag:s1] =	ssyncset.done @!p0 $0x0  }
0x59: {  	[sflag:s1] =	ssyncadd.s32 @!p0 $0xFFFFE000  }
0x5a: {  	_ =	swait.ge @!p0 [sflag:s1], $0x2000  }
0x5b: {  	[sflag:s1] =	ssyncset.done @!p0 $0x0  }
0x5c: {  	[sflag:s1] =	ssyncadd.s32 @!p0 $0xFFFFE000  }
0x5d: {  	_ =	swait.ge @!p0 [sflag:s1], $0x2000  }
0x5e: {  	s28 =	simm.s32 @!p0 $0x500;
	[sflag:s1] =	ssyncset.done @!p0 $0x0  }
0x5f: {  	s29 =	simm.s32 @!p0 $0x80;
	[sflag:s1] =	ssyncadd.s32 @!p0 $0xFFFFE000;
	s1 =	simm.s32 @!p0 $0x6400  }
0x60: {  	[tilespmem:s1], [sflag:$0x1] =	stream.indirect.gather @!p0 [hbm4b:s4+s29], $0x40, s28, s29, $0xb8;
	[tilespmem:$0x1A400] =	vst v63  }
0x61: {  	s1 =	simm.s32 @!p0 $0x580;
	s28 =	simm.s32 @!p0 $0x8400  }
0x62: {  	[tilespmem:s28], [sflag:$0x1] =	stream.indirect.gather @!p0 [hbm4b:s4+s29], $0x40, s1, s29, $0xb8;
	[tilespmem:$0x1A400] =	vst v63  }
0x63: {  	s1 =	simm.s32 @!p0 $0x600;
	s28 =	simm.s32 @!p0 $0xA400  }
0x64: {  	[tilespmem:s28], [sflag:$0x1] =	stream.indirect.gather @!p0 [hbm4b:s4+s29], $0x40, s1, s29, $0xb8;
	[tilespmem:$0x1A400] =	vst v63  }
0x65: {  	s1 =	simm.s32 @!p0 $0x680;
	s28 =	simm.s32 @!p0 $0xC400  }
0x66: {  	[tilespmem:s28], [sflag:$0x1] =	stream.indirect.gather @!p0 [hbm4b:s4+s29], $0x40, s1, s29, $0xb8;
	[tilespmem:$0x1A400] =	vst v63  }
0x67: {  	s1 =	simm.s32 @!p0 $0x700;
	s28 =	simm.s32 @!p0 $0xE400  }
0x68: {  	[tilespmem:s28], [sflag:$0x1] =	stream.indirect.gather @!p0 [hbm4b:s4+s29], $0x40, s1, s29, $0xb8;
	[tilespmem:$0x1A400] =	vst v63  }
0x69: {  	_ =	swait.ge [sflag:s23], $0x2000  }
0x6a: {  	[sflag:s23] =	ssyncset.done $0x0  }
0x6b: {  	[sflag:s23] =	ssyncadd.s32 $0xFFFFE000  }
0x6c: {  	_ =	swait.ge [sflag:s23], $0x2000  }
0x6d: {  	[sflag:s23] =	ssyncset.done $0x0  }
0x6e: {  	[sflag:s23] =	ssyncadd.s32 $0xFFFFE000  }
0x6f: {  	_ =	swait.ge [sflag:s23], $0x2000  }
0x70: {  	[sflag:s23] =	ssyncset.done $0x0  }
0x71: {  	[sflag:s23] =	ssyncadd.s32 $0xFFFFE000  }
0x72: {  	_ =	swait.ge [sflag:s23], $0x2000  }
0x73: {  	[sflag:s23] =	ssyncset.done $0x0  }
0x74: {  	[sflag:s23] =	ssyncadd.s32 $0xFFFFE000  }
0x75: {  	_ =	swait.ge [sflag:s23], $0x2000  }
0x76: {  	s7 =	rddreg [dreg:$0x4];
	[sflag:s23] =	ssyncset.done $0x0  }
0x77: {  	[sflag:s23] =	ssyncadd.s32 $0xFFFFE000;
	s1 =	sadd.s32 s2, s7  }
0x78: {  	[hbm4b:s1+s3] =	stream.linear.scatter [tilespmem:s17], [sflag:$0x4], $0x2000, $0x38;
	[tilespmem:$0x1A400] =	vst v63  }
0x79: {  	p6 =	por $0x0, $0x0;
	s30 =	simm.s32 $0x2800;
	s11 =	sadd.s32 $0x1800, s0  }
0x7a: {  	[hbm4b:s11+s3] =	stream.linear.scatter [tilespmem:s18], [sflag:$0x4], $0x2000, $0x38;
	[tilespmem:$0x1A400] =	vst v63  }
0x7b: {  	s13 =	sadd.s32 $0x1C00, s0;
	s31 =	sadd.s32 $0x2400, s0;
	s15 =	sadd.s32 $0x2000, s0  }
0x7c: {  	[hbm4b:s13+s3] =	stream.linear.scatter [tilespmem:s19], [sflag:$0x4], $0x2000, $0x38;
	[tilespmem:$0x1A400] =	vst v63  }
0x7d: {  	s29 =	simm.s32 $0x1400;
	p0 =	por p6, p6;
	s28 =	sadd.s32 $0x2800, s2  }
0x7e: {  	[hbm4b:s15+s3] =	stream.linear.scatter [tilespmem:s20], [sflag:$0x4], $0x2000, $0x38;
	[tilespmem:$0x1A400] =	vst v63  }
.LBB2_2:
0x7f: {  	s1 =	simm.s32 @!p0 $0x4  }
0x80: {  	[hbm4b:s31+s3] =	stream.linear.scatter [tilespmem:s21], [sflag:$0x4], $0x2000, $0x38;
	[tilespmem:$0x1A400] =	vst v63  }
0x81: {  	_ =	swait.ge @!p0 [sflag:s1], $0x2000  }
0x82: {  	[sflag:s1] =	ssyncset.done @!p0 $0x0  }
0x83: {  	[sflag:s1] =	ssyncadd.s32 @!p0 $0xFFFFE000  }
0x84: {  	_ =	swait.ge @!p0 [sflag:s1], $0x2000  }
0x85: {  	[sflag:s1] =	ssyncset.done @!p0 $0x0  }
0x86: {  	[sflag:s1] =	ssyncadd.s32 @!p0 $0xFFFFE000  }
0x87: {  	_ =	swait.ge @!p0 [sflag:s1], $0x2000  }
0x88: {  	[sflag:s1] =	ssyncset.done @!p0 $0x0  }
0x89: {  	[sflag:s1] =	ssyncadd.s32 @!p0 $0xFFFFE000  }
0x8a: {  	_ =	swait.ge @!p0 [sflag:s1], $0x2000  }
0x8b: {  	[sflag:s1] =	ssyncset.done @!p0 $0x0  }
0x8c: {  	[sflag:s1] =	ssyncadd.s32 @!p0 $0xFFFFE000  }
0x8d: {  	_ =	swait.ge @!p0 [sflag:s1], $0x2000  }
0x8e: {  	s31 =	sshra.s32 s29, $0x2;
	[sflag:s1] =	ssyncset.done @!p0 $0x0  }
0x8f: {  	s5 =	sadd.s32 $0x280, s31;
	[sflag:s1] =	ssyncadd.s32 @!p0 $0xFFFFE000  }
0x90: {  	[tilespmem:s17], [sflag:$0x2] =	stream.indirect.gather [hbm4b:s4+s8], $0x40, s5, s8, $0xb8;
	[tilespmem:$0x1A400] =	vst v63  }
0x91: {  	s6 =	sadd.s32 $0x300, s31  }
0x92: {  	[tilespmem:s18], [sflag:$0x2] =	stream.indirect.gather [hbm4b:s4+s8], $0x40, s6, s8, $0xb8;
	[tilespmem:$0x1A400] =	vst v63  }
0x93: {  	s7 =	sadd.s32 $0x380, s31  }
0x94: {  	[tilespmem:s19], [sflag:$0x2] =	stream.indirect.gather [hbm4b:s4+s8], $0x40, s7, s8, $0xb8;
	[tilespmem:$0x1A400] =	vst v63  }
0x95: {  	s11 =	sadd.s32 $0x400, s31  }
0x96: {  	[tilespmem:s20], [sflag:$0x2] =	stream.indirect.gather [hbm4b:s4+s8], $0x40, s11, s8, $0xb8;
	[tilespmem:$0x1A400] =	vst v63  }
0x97: {  	s13 =	sadd.s32 $0x480, s31  }
0x98: {  	[tilespmem:s21], [sflag:$0x2] =	stream.indirect.gather [hbm4b:s4+s8], $0x40, s13, s8, $0xb8;
	[tilespmem:$0x1A400] =	vst v63  }
0x99: {  	_ =	swait.ge [sflag:s22], $0x2000  }
0x9a: {  	[sflag:s22] =	ssyncset.done $0x0  }
0x9b: {  	[sflag:s22] =	ssyncadd.s32 $0xFFFFE000  }
0x9c: {  	_ =	swait.ge [sflag:s22], $0x2000  }
0x9d: {  	[sflag:s22] =	ssyncset.done $0x0  }
0x9e: {  	[sflag:s22] =	ssyncadd.s32 $0xFFFFE000  }
0x9f: {  	_ =	swait.ge [sflag:s22], $0x2000  }
0xa0: {  	[sflag:s22] =	ssyncset.done $0x0  }
0xa1: {  	[sflag:s22] =	ssyncadd.s32 $0xFFFFE000  }
0xa2: {  	_ =	swait.ge [sflag:s22], $0x2000  }
0xa3: {  	[sflag:s22] =	ssyncset.done $0x0  }
0xa4: {  	[sflag:s22] =	ssyncadd.s32 $0xFFFFE000  }
0xa5: {  	_ =	swait.ge [sflag:s22], $0x2000  }
0xa6: {  	s15 =	rddreg [dreg:$0x3];
	[sflag:s22] =	ssyncset.done $0x0  }
0xa7: {  	[sflag:s22] =	ssyncadd.s32 $0xFFFFE000;
	s1 =	sadd.s32 s28, s15  }
0xa8: {  	[hbm4b:s1+s3] =	stream.linear.scatter [tilespmem:s9], [sflag:$0x3], $0x2000, $0x38;
	[tilespmem:$0x1A400] =	vst v63  }
0xa9: {  	s11 =	sadd.s32 $0x400, s1  }
0xaa: {  	[hbm4b:s11+s3] =	stream.linear.scatter [tilespmem:s10], [sflag:$0x3], $0x2000, $0x38;
	[tilespmem:$0x1A400] =	vst v63  }
0xab: {  	p2 =	seq.s32 s30, $0x0;
	s2 =	sadd.s32 $0x800, s1  }
0xac: {  	[hbm4b:s2+s3] =	stream.linear.scatter [tilespmem:s12], [sflag:$0x3], $0x2000, $0x38;
	[tilespmem:$0x1A400] =	vst v63  }
0xad: {  	p0 =	por p2, p2;
	p2 =	seq.s32 s29, $0x17C00;
	s5 =	sadd.s32 $0xC00, s1  }
0xae: {  	[hbm4b:s5+s3] =	stream.linear.scatter [tilespmem:s14], [sflag:$0x3], $0x2000, $0x38;
	[tilespmem:$0x1A400] =	vst v63  }
0xaf: {  	s6 =	sadd.s32 $0x1000, s1;
	s11 =	simm.s32 @!p2 $0x3  }
0xb0: {  	[hbm4b:s6+s3] =	stream.linear.scatter [tilespmem:s16], [sflag:$0x3], $0x2000, $0x38;
	[tilespmem:$0x1A400] =	vst v63  }
0xb1: {  	_ =	swait.ge @!p2 [sflag:s11], $0x2000  }
0xb2: {  	[sflag:s11] =	ssyncset.done @!p2 $0x0  }
0xb3: {  	[sflag:s11] =	ssyncadd.s32 @!p2 $0xFFFFE000  }
0xb4: {  	_ =	swait.ge @!p2 [sflag:s11], $0x2000  }
0xb5: {  	[sflag:s11] =	ssyncset.done @!p2 $0x0  }
0xb6: {  	[sflag:s11] =	ssyncadd.s32 @!p2 $0xFFFFE000  }
0xb7: {  	_ =	swait.ge @!p2 [sflag:s11], $0x2000  }
0xb8: {  	[sflag:s11] =	ssyncset.done @!p2 $0x0  }
0xb9: {  	[sflag:s11] =	ssyncadd.s32 @!p2 $0xFFFFE000  }
0xba: {  	_ =	swait.ge @!p2 [sflag:s11], $0x2000  }
0xbb: {  	[sflag:s11] =	ssyncset.done @!p2 $0x0  }
0xbc: {  	[sflag:s11] =	ssyncadd.s32 @!p2 $0xFFFFE000  }
0xbd: {  	s0 =	smov.u32 s30;
	s7 =	simm.s32 @!p2 $0x6400;
	_ =	swait.ge @!p2 [sflag:s11], $0x2000  }
0xbe: {  	s13 =	sshra.s32 @!p2 s29, $0x2;
	s29 =	smov.u32 s0;
	[sflag:s11] =	ssyncset.done @!p2 $0x0  }
0xbf: {  	s0 =	sadd.s32 @!p2 $0x500, s13;
	s2 =	simm.s32 @!p2 $0x80;
	[sflag:s11] =	ssyncadd.s32 @!p2 $0xFFFFE000  }
0xc0: {  	[tilespmem:s7], [sflag:$0x1] =	stream.indirect.gather @!p2 [hbm4b:s4+s2], $0x40, s0, s2, $0xb8;
	[tilespmem:$0x1A400] =	vst v63  }
0xc1: {  	s15 =	sadd.s32 @!p2 $0x580, s13;
	s11 =	simm.s32 @!p2 $0x8400  }
0xc2: {  	[tilespmem:s11], [sflag:$0x1] =	stream.indirect.gather @!p2 [hbm4b:s4+s2], $0x40, s15, s2, $0xb8;
	[tilespmem:$0x1A400] =	vst v63  }
0xc3: {  	s5 =	sadd.s32 @!p2 $0x600, s13;
	s0 =	simm.s32 @!p2 $0xA400  }
0xc4: {  	[tilespmem:s0], [sflag:$0x1] =	stream.indirect.gather @!p2 [hbm4b:s4+s2], $0x40, s5, s2, $0xb8;
	[tilespmem:$0x1A400] =	vst v63  }
0xc5: {  	s6 =	sadd.s32 @!p2 $0x680, s13;
	s7 =	simm.s32 @!p2 $0xC400  }
0xc6: {  	[tilespmem:s7], [sflag:$0x1] =	stream.indirect.gather @!p2 [hbm4b:s4+s2], $0x40, s6, s2, $0xb8;
	[tilespmem:$0x1A400] =	vst v63  }
0xc7: {  	s13 =	sadd.s32 @!p2 $0x700, s13;
	s0 =	simm.s32 @!p2 $0xE400  }
0xc8: {  	[tilespmem:s0], [sflag:$0x1] =	stream.indirect.gather @!p2 [hbm4b:s4+s2], $0x40, s13, s2, $0xb8;
	[tilespmem:$0x1A400] =	vst v63  }
0xc9: {  	_ =	swait.ge [sflag:s23], $0x2000  }
0xca: {  	[sflag:s23] =	ssyncset.done $0x0  }
0xcb: {  	[sflag:s23] =	ssyncadd.s32 $0xFFFFE000  }
0xcc: {  	_ =	swait.ge [sflag:s23], $0x2000  }
0xcd: {  	[sflag:s23] =	ssyncset.done $0x0  }
0xce: {  	[sflag:s23] =	ssyncadd.s32 $0xFFFFE000  }
0xcf: {  	_ =	swait.ge [sflag:s23], $0x2000  }
0xd0: {  	[sflag:s23] =	ssyncset.done $0x0  }
0xd1: {  	[sflag:s23] =	ssyncadd.s32 $0xFFFFE000  }
0xd2: {  	_ =	swait.ge [sflag:s23], $0x2000  }
0xd3: {  	[sflag:s23] =	ssyncset.done $0x0  }
0xd4: {  	[sflag:s23] =	ssyncadd.s32 $0xFFFFE000  }
0xd5: {  	_ =	swait.ge [sflag:s23], $0x2000  }
0xd6: {  	s7 =	rddreg [dreg:$0x4];
	[sflag:s23] =	ssyncset.done $0x0  }
0xd7: {  	s30 =	sadd.s32 $0x1400, s30;
	[sflag:s23] =	ssyncadd.s32 $0xFFFFE000;
	s0 =	sadd.s32 s28, s7  }
0xd8: {  	[hbm4b:s0+s3] =	stream.linear.scatter [tilespmem:s17], [sflag:$0x4], $0x2000, $0x38;
	[tilespmem:$0x1A400] =	vst v63  }
0xd9: {  	p1 =	sne.s32 s30, $0x19000;
	s11 =	sadd.s32 $0x1800, s1  }
0xda: {  	[hbm4b:s11+s3] =	stream.linear.scatter [tilespmem:s18], [sflag:$0x4], $0x2000, $0x38;
	[tilespmem:$0x1A400] =	vst v63  }
.Ltmp0:
0xdb: {  	_ = 	snop;
	(pc) =	sbr.rel @p1 .LBB2_2-.Ltmp0, $4  }
0xdc: {  	s13 =	sadd.s32 $0x1C00, s1  }
0xdd: {  	[hbm4b:s13+s3] =	stream.linear.scatter [tilespmem:s19], [sflag:$0x4], $0x2000, $0x38;
	[tilespmem:$0x1A400] =	vst v63  }
0xde: {  	s31 =	sadd.s32 $0x2400, s1;
	s15 =	sadd.s32 $0x2000, s1;
	s28 =	sadd.s32 $0x2800, s28  }
0xdf: {  	[hbm4b:s15+s3] =	stream.linear.scatter [tilespmem:s20], [sflag:$0x4], $0x2000, $0x38;
	[tilespmem:$0x1A400] =	vst v63  }
0xe0: {  	s0 =	simm.s32 @!p0 $0x4  }
0xe1: {  	[hbm4b:s31+s3] =	stream.linear.scatter [tilespmem:s21], [sflag:$0x4], $0x2000, $0x38;
	[tilespmem:$0x1A400] =	vst v63  }
0xe2: {  	_ =	swait.ge @!p0 [sflag:s0], $0x2000  }
0xe3: {  	[sflag:s0] =	ssyncset.done @!p0 $0x0  }
0xe4: {  	[sflag:s0] =	ssyncadd.s32 @!p0 $0xFFFFE000  }
0xe5: {  	_ =	swait.ge @!p0 [sflag:s0], $0x2000  }
0xe6: {  	[sflag:s0] =	ssyncset.done @!p0 $0x0  }
0xe7: {  	[sflag:s0] =	ssyncadd.s32 @!p0 $0xFFFFE000  }
0xe8: {  	_ =	swait.ge @!p0 [sflag:s0], $0x2000  }
0xe9: {  	[sflag:s0] =	ssyncset.done @!p0 $0x0  }
0xea: {  	[sflag:s0] =	ssyncadd.s32 @!p0 $0xFFFFE000  }
0xeb: {  	_ =	swait.ge @!p0 [sflag:s0], $0x2000  }
0xec: {  	[sflag:s0] =	ssyncset.done @!p0 $0x0  }
0xed: {  	[sflag:s0] =	ssyncadd.s32 @!p0 $0xFFFFE000  }
0xee: {  	_ =	swait.ge @!p0 [sflag:s0], $0x2000  }
0xef: {  	s1 =	sshra.s32 s29, $0x2;
	[sflag:s0] =	ssyncset.done @!p0 $0x0  }
0xf0: {  	s13 =	sadd.s32 $0x280, s1;
	[sflag:s0] =	ssyncadd.s32 @!p0 $0xFFFFE000  }
0xf1: {  	[tilespmem:s17], [sflag:$0x2] =	stream.indirect.gather [hbm4b:s4+s8], $0x40, s13, s8, $0xb8;
	[tilespmem:$0x1A400] =	vst v63  }
0xf2: {  	s15 =	sadd.s32 $0x300, s1  }
0xf3: {  	[tilespmem:s18], [sflag:$0x2] =	stream.indirect.gather [hbm4b:s4+s8], $0x40, s15, s8, $0xb8;
	[tilespmem:$0x1A400] =	vst v63  }
0xf4: {  	s30 =	sadd.s32 $0x380, s1  }
0xf5: {  	[tilespmem:s19], [sflag:$0x2] =	stream.indirect.gather [hbm4b:s4+s8], $0x40, s30, s8, $0xb8;
	[tilespmem:$0x1A400] =	vst v63  }
0xf6: {  	s31 =	sadd.s32 $0x400, s1  }
0xf7: {  	[tilespmem:s20], [sflag:$0x2] =	stream.indirect.gather [hbm4b:s4+s8], $0x40, s31, s8, $0xb8;
	[tilespmem:$0x1A400] =	vst v63  }
0xf8: {  	s2 =	sadd.s32 $0x480, s1  }
0xf9: {  	[tilespmem:s21], [sflag:$0x2] =	stream.indirect.gather [hbm4b:s4+s8], $0x40, s2, s8, $0xb8;
	[tilespmem:$0x1A400] =	vst v63  }
0xfa: {  	_ =	swait.ge [sflag:s22], $0x2000  }
0xfb: {  	[sflag:s22] =	ssyncset.done $0x0  }
0xfc: {  	[sflag:s22] =	ssyncadd.s32 $0xFFFFE000  }
0xfd: {  	_ =	swait.ge [sflag:s22], $0x2000  }
0xfe: {  	[sflag:s22] =	ssyncset.done $0x0  }
0xff: {  	[sflag:s22] =	ssyncadd.s32 $0xFFFFE000  }
0x100: {  	_ =	swait.ge [sflag:s22], $0x2000  }
0x101: {  	[sflag:s22] =	ssyncset.done $0x0  }
0x102: {  	[sflag:s22] =	ssyncadd.s32 $0xFFFFE000  }
0x103: {  	_ =	swait.ge [sflag:s22], $0x2000  }
0x104: {  	[sflag:s22] =	ssyncset.done $0x0  }
0x105: {  	[sflag:s22] =	ssyncadd.s32 $0xFFFFE000  }
0x106: {  	_ =	swait.ge [sflag:s22], $0x2000  }
0x107: {  	s5 =	rddreg [dreg:$0x3];
	[sflag:s22] =	ssyncset.done $0x0  }
0x108: {  	[sflag:s22] =	ssyncadd.s32 $0xFFFFE000;
	s0 =	sadd.s32 s28, s5  }
0x109: {  	[hbm4b:s0+s3] =	stream.linear.scatter [tilespmem:s9], [sflag:$0x3], $0x2000, $0x38;
	[tilespmem:$0x1A400] =	vst v63  }
0x10a: {  	s6 =	sadd.s32 $0x400, s0  }
0x10b: {  	[hbm4b:s6+s3] =	stream.linear.scatter [tilespmem:s10], [sflag:$0x3], $0x2000, $0x38;
	[tilespmem:$0x1A400] =	vst v63  }
0x10c: {  	s7 =	sadd.s32 $0x800, s0  }
0x10d: {  	[hbm4b:s7+s3] =	stream.linear.scatter [tilespmem:s12], [sflag:$0x3], $0x2000, $0x38;
	[tilespmem:$0x1A400] =	vst v63  }
0x10e: {  	p0 =	seq.s32 s29, $0x17C00;
	s11 =	sadd.s32 $0xC00, s0  }
0x10f: {  	[hbm4b:s11+s3] =	stream.linear.scatter [tilespmem:s14], [sflag:$0x3], $0x2000, $0x38;
	[tilespmem:$0x1A400] =	vst v63  }
0x110: {  	s1 =	simm.s32 @!p0 $0x3;
	s13 =	sadd.s32 $0x1000, s0  }
0x111: {  	[hbm4b:s13+s3] =	stream.linear.scatter [tilespmem:s16], [sflag:$0x3], $0x2000, $0x38;
	[tilespmem:$0x1A400] =	vst v63  }
0x112: {  	_ =	swait.ge @!p0 [sflag:s1], $0x2000  }
0x113: {  	[sflag:s1] =	ssyncset.done @!p0 $0x0  }
0x114: {  	[sflag:s1] =	ssyncadd.s32 @!p0 $0xFFFFE000  }
0x115: {  	_ =	swait.ge @!p0 [sflag:s1], $0x2000  }
0x116: {  	[sflag:s1] =	ssyncset.done @!p0 $0x0  }
0x117: {  	[sflag:s1] =	ssyncadd.s32 @!p0 $0xFFFFE000  }
0x118: {  	_ =	swait.ge @!p0 [sflag:s1], $0x2000  }
0x119: {  	[sflag:s1] =	ssyncset.done @!p0 $0x0  }
0x11a: {  	[sflag:s1] =	ssyncadd.s32 @!p0 $0xFFFFE000  }
0x11b: {  	_ =	swait.ge @!p0 [sflag:s1], $0x2000  }
0x11c: {  	[sflag:s1] =	ssyncset.done @!p0 $0x0  }
0x11d: {  	[sflag:s1] =	ssyncadd.s32 @!p0 $0xFFFFE000  }
0x11e: {  	s2 =	sshra.s32 @!p0 s29, $0x2;
	_ =	swait.ge @!p0 [sflag:s1], $0x2000  }
0x11f: {  	s5 =	sadd.s32 @!p0 $0x500, s2;
	[sflag:s1] =	ssyncset.done @!p0 $0x0  }
0x120: {  	s6 =	simm.s32 @!p0 $0x80;
	[sflag:s1] =	ssyncadd.s32 @!p0 $0xFFFFE000;
	s1 =	simm.s32 @!p0 $0x6400  }
0x121: {  	[tilespmem:s1], [sflag:$0x1] =	stream.indirect.gather @!p0 [hbm4b:s4+s6], $0x40, s5, s6, $0xb8;
	[tilespmem:$0x1A400] =	vst v63  }
0x122: {  	s1 =	sadd.s32 @!p0 $0x580, s2;
	s5 =	simm.s32 @!p0 $0x8400  }
0x123: {  	[tilespmem:s5], [sflag:$0x1] =	stream.indirect.gather @!p0 [hbm4b:s4+s6], $0x40, s1, s6, $0xb8;
	[tilespmem:$0x1A400] =	vst v63  }
0x124: {  	s1 =	sadd.s32 @!p0 $0x600, s2;
	s5 =	simm.s32 @!p0 $0xA400  }
0x125: {  	[tilespmem:s5], [sflag:$0x1] =	stream.indirect.gather @!p0 [hbm4b:s4+s6], $0x40, s1, s6, $0xb8;
	[tilespmem:$0x1A400] =	vst v63  }
0x126: {  	s1 =	sadd.s32 @!p0 $0x680, s2;
	s5 =	simm.s32 @!p0 $0xC400  }
0x127: {  	[tilespmem:s5], [sflag:$0x1] =	stream.indirect.gather @!p0 [hbm4b:s4+s6], $0x40, s1, s6, $0xb8;
	[tilespmem:$0x1A400] =	vst v63  }
0x128: {  	s1 =	sadd.s32 @!p0 $0x700, s2;
	s2 =	simm.s32 @!p0 $0xE400  }
0x129: {  	[tilespmem:s2], [sflag:$0x1] =	stream.indirect.gather @!p0 [hbm4b:s4+s6], $0x40, s1, s6, $0xb8;
	[tilespmem:$0x1A400] =	vst v63  }
0x12a: {  	_ =	swait.ge [sflag:s23], $0x2000  }
0x12b: {  	[sflag:s23] =	ssyncset.done $0x0  }
0x12c: {  	[sflag:s23] =	ssyncadd.s32 $0xFFFFE000  }
0x12d: {  	_ =	swait.ge [sflag:s23], $0x2000  }
0x12e: {  	[sflag:s23] =	ssyncset.done $0x0  }
0x12f: {  	[sflag:s23] =	ssyncadd.s32 $0xFFFFE000  }
0x130: {  	_ =	swait.ge [sflag:s23], $0x2000  }
0x131: {  	[sflag:s23] =	ssyncset.done $0x0  }
0x132: {  	[sflag:s23] =	ssyncadd.s32 $0xFFFFE000  }
0x133: {  	_ =	swait.ge [sflag:s23], $0x2000  }
0x134: {  	[sflag:s23] =	ssyncset.done $0x0  }
0x135: {  	[sflag:s23] =	ssyncadd.s32 $0xFFFFE000  }
0x136: {  	_ =	swait.ge [sflag:s23], $0x2000  }
0x137: {  	s15 =	rddreg [dreg:$0x4];
	[sflag:s23] =	ssyncset.done $0x0  }
0x138: {  	s1 =	sadd.s32 s28, s15;
	[sflag:s23] =	ssyncadd.s32 $0xFFFFE000  }
0x139: {  	[hbm4b:s1+s3] =	stream.linear.scatter [tilespmem:s17], [sflag:$0x4], $0x2000, $0x38;
	[tilespmem:$0x1A400] =	vst v63  }
0x13a: {  	s28 =	sadd.s32 $0x1800, s0  }
0x13b: {  	[hbm4b:s28+s3] =	stream.linear.scatter [tilespmem:s18], [sflag:$0x4], $0x2000, $0x38;
	[tilespmem:$0x1A400] =	vst v63  }
0x13c: {  	s29 =	sadd.s32 $0x1C00, s0  }
0x13d: {  	[hbm4b:s29+s3] =	stream.linear.scatter [tilespmem:s19], [sflag:$0x4], $0x2000, $0x38;
	[tilespmem:$0x1A400] =	vst v63  }
0x13e: {  	s30 =	sadd.s32 $0x2000, s0  }
0x13f: {  	[hbm4b:s30+s3] =	stream.linear.scatter [tilespmem:s20], [sflag:$0x4], $0x2000, $0x38;
	[tilespmem:$0x1A400] =	vst v63  }
0x140: {  	s0 =	sadd.s32 $0x2400, s0  }
0x141: {  	[hbm4b:s0+s3] =	stream.linear.scatter [tilespmem:s21], [sflag:$0x4], $0x2000, $0x38;
	[tilespmem:$0x1A400] =	vst v63  }
0x142: {  	_ =	swait.ge [sflag:s24], $0x2000  }
0x143: {  	[sflag:s24] =	ssyncset.done $0x0  }
0x144: {  	[sflag:s24] =	ssyncadd.s32 $0xFFFFE000  }
0x145: {  	_ =	swait.ge [sflag:s24], $0x2000  }
0x146: {  	[sflag:s24] =	ssyncset.done $0x0  }
0x147: {  	[sflag:s24] =	ssyncadd.s32 $0xFFFFE000  }
0x148: {  	_ =	swait.ge [sflag:s24], $0x2000  }
0x149: {  	[sflag:s24] =	ssyncset.done $0x0  }
0x14a: {  	[sflag:s24] =	ssyncadd.s32 $0xFFFFE000  }
0x14b: {  	_ =	swait.ge [sflag:s24], $0x2000  }
0x14c: {  	[sflag:s24] =	ssyncset.done $0x0  }
0x14d: {  	[sflag:s24] =	ssyncadd.s32 $0xFFFFE000  }
0x14e: {  	_ =	swait.ge [sflag:s24], $0x2000  }
0x14f: {  	[sflag:s24] =	ssyncset.done $0x0  }
0x150: {  	[sflag:s24] =	ssyncadd.s32 $0xFFFFE000  }
0x151: {  	_ =	swait.ge [sflag:s25], $0x2000  }
0x152: {  	[sflag:s25] =	ssyncset.done $0x0  }
0x153: {  	[sflag:s25] =	ssyncadd.s32 $0xFFFFE000  }
0x154: {  	_ =	swait.ge [sflag:s25], $0x2000  }
0x155: {  	[sflag:s25] =	ssyncset.done $0x0  }
0x156: {  	[sflag:s25] =	ssyncadd.s32 $0xFFFFE000  }
0x157: {  	_ =	swait.ge [sflag:s25], $0x2000  }
0x158: {  	[sflag:s25] =	ssyncset.done $0x0  }
0x159: {  	[sflag:s25] =	ssyncadd.s32 $0xFFFFE000  }
0x15a: {  	_ =	swait.ge [sflag:s25], $0x2000  }
0x15b: {  	[sflag:s25] =	ssyncset.done $0x0  }
0x15c: {  	[sflag:s25] =	ssyncadd.s32 $0xFFFFE000  }
0x15d: {  	_ =	swait.ge [sflag:s25], $0x2000  }
0x15e: {  	s26 =	sadd.s32 $0x1, s26;
	s31 =	rddreg [dreg:$0x6]  }
0x15f: {  	p0 =	sne.s32 s26, s31  }
.Ltmp1:
0x160: {  	_ = 	snop;
	(pc) =	sbr.rel @p0 .LBB2_1-.Ltmp1, $3  }
0x161: {  	_ =	sdelay $0x1  }
0x162: {  	[sflag:s25] =	ssyncset.done $0x0  }
0x163: {  	[sflag:s25] =	ssyncadd.s32 $0xFFFFE000  }
0x164: {  	_ =	sfence.sel $0x180000  }
0x165: {  	[bflag:$0x0] =	sbarrier.arrive $0xFFFF  }
0x166: {  	_ =	strace $0x90000047  }
0x167: {  	s0 =	stileid.u32;
	[bflag:$0x2] =	sbarrier.arrive $0xFFFF  }
0x168: {  	p0 =	sne.s32 s0, $0x0;
	s0 =	rddreg [dreg:$0x2]  }
0x169: {  	s0 =	sadd.s32 @!p0 $0x100000, s0  }
0x16a: {  	[sflag:s0] =	ssyncadd.tile.s32 @!p0 $0x1;
	_ =	shalt  }
.Lfunc_end2:
_tile_overlayer_lowered:
.L_overlay_start_2:
0x16b: {  	(tag) =	ssettag $0x2  }
0x16c: {  	s0 =	rddreg [dreg:$0x0];
	s2 =	stileid.u32  }
0x16d: {  	s1 =	rddreg [dreg:$0x1];
	p0 =	sne.s32 s2, $0x0  }
0x16e: {  	s3 =	rddreg [dreg:$0x2];
	[bflag:$0x3] =	sbarrier.arrive $0xFFFF;
	s2 =	simm.s32 @!p0 $0x1C05  }
0x16f: {  	[timem:s3], [sflag:s2] =	dma.local @!p0 [hbm:s0], s1  }
0x170: {  	s0 =	simm.s32 @!p0 $0x5  }
0x171: {  	_ =	swait.ge @!p0 [sflag:s0], s1  }
0x172: {  	s1 =	ssub.s32 @!p0 $0x0, s1;
	[sflag:s0] =	ssyncset.done @!p0 $0x0  }
0x173: {  	[sflag:s0] =	ssyncadd.s32 @!p0 s1  }
0x174: {  	[bflag:$0x3] =	sbarrier.arrive $0xFFFF  }
0x175: {  	_ =	shalt  }

// kernel: sparse-core-data-format-call.cloned.1.call-start
scs
called_computation_lowered:
.L_overlay_start_0:
0x0: {  	s2 =	sld [smem:$0x3FD9]  }
0x1: {  	s3 =	sld [smem:$0x3FFE];
	_ =	sdelay $0x1  }
0x2: {  	s1 =	srdreg.scid  }
0x3: {  	s0 =	sand.u32 $0x1, s1  }
0x4: {  	s18 =	sshll.u32 s0, $0xA;
	s2 =	sadd.s32 s3, s2  }
0x5: {  	s2 =	sadd.s32 s2, s18  }
0x6: {  	[smem:$0x3FC6] =	sst s2  }
0x7: {  	_ = 	snop  }
0x8: {  	s2 =	sld [smem:$0x3FD0];
	(tm) =	ssettm $0x1  }
0x9: {  	s19 =	sld [smem:$0x3FFB];
	_ =	sdelay $0x3  }
0xa: {  	_ =	strace s19  }
0xb: {  	s3 =	sld [smem:$0x3FFC];
	_ =	sdelay $0x3  }
0xc: {  	_ =	strace s3  }
0xd: {  	s3 =	sld [smem:$0x3FFD];
	_ =	sdelay $0x3  }
0xe: {  	_ =	strace s3  }
0xf: {  	_ =	strace $0x8FFFFFFF  }
0x10: {  	s20 =	sld [smem:$0x3FDB];
	_ =	sdelay $0x1  }
0x11: {  	s4 =	simm.s32 $_scs_section_size  }
0x12: {  	s5 =	simm.s32 $_size__tile_overlayer_lowered;
	s6 =	simm.s32 $_tile_overlayer_lowered  }
0x13: {  	s23 =	simm.s32 $0x1BFF;
	s22 =	sshll.u32 s6, $0x1;
	s3 =	sadd.s32 s4, s20  }
0x14: {  	s7 =	simm.s32 $0x0;
	s21 =	sshll.u32 s5, $0x1;
	s5 =	sadd.s32 s22, s3  }
0x15: {  	[timem:s7], [sflag:s23] =	dma.local [hbm:s5], s21  }
0x16: {  	_ =	swait.ge [sflag:s23], s21  }
0x17: {  	s4 =	ssub.s32 $0x0, s21;
	[sflag:s23] =	ssyncset.done $0x0  }
0x18: {  	[sflag:s23] =	ssyncadd.s32 s4;
	_ =	sdelay $0x1  }
0x19: {  	s24 =	simm.s32 $0x1B8B  }
0x1a: {  	_ =	swait.ge [sflag:s24], $0x1  }
0x1b: {  	[sflag:s24] =	ssyncset.done $0x0  }
0x1c: {  	s26 =	simm.s32 $0x1B8E;
	s25 =	sld [smem:$0x3FFE];
	[sflag:s24] =	ssyncadd.s32 $0xFFFFFFFF  }
0x1d: {  	s27 =	simm.s32 $execute0_lowered;
	[smem:$0x3FD2] =	sst s26  }
0x1e: {  	s5 =	sshll.u32 s27, $0x1;
	_ =	strace $0x80000049;
	[dreg:$0x1] =	wrdreg $0xFFFFFFFF  }
0x1f: {  	s28 =	simm.s32 $_size_execute0_lowered;
	s3 =	sadd.s32 s3, s5;
	[dreg:$0x0] =	wrdreg $0x0  }
0x20: {  	s5 =	sshll.u32 s28, $0x1;
	[dreg:$0x2] =	wrdreg s3  }
0x21: {  	[dreg:$0x3] =	wrdreg s5  }
0x22: {  	[dreg:$0x4] =	wrdreg $0xC0  }
0x23: {  	_ =	task [dreg:s7], $0x5FFFF  }
0x24: {  	[dreg:$0x1] =	wrdreg $0xFFFFFFFF  }
0x25: {  	[dreg:$0x0] =	wrdreg $0x60  }
0x26: {  	[dreg:$0x2] =	wrdreg s25  }
0x27: {  	[dreg:$0x3] =	wrdreg s2  }
0x28: {  	[dreg:$0x4] =	wrdreg $0x9  }
0x29: {  	_ =	task.clear_ibuf [dreg:s7], $0x5FFFF;
	_ =	strace $0x90000049  }
0x2a: {  	s29 =	simm.s32 $0x9;
	_ =	strace $0x8000004B  }
0x2b: {  	_ =	swait.ge [sflag:s29], $0x1  }
0x2c: {  	[sflag:s29] =	ssyncadd.s32 $0xFFFFFFFF  }
0x2d: {  	_ =	strace $0x9000004B  }
0x2e: {  	_ =	sfence  }
0x2f: {  	s30 =	sld [smem:$0x0];
	_ =	sdelay $0x2  }
0x30: {  	s31 =	sshll.u32 s1, $0xD;
	s1 =	sshrl.u32 s1, $0x2  }
0x31: {  	s3 =	sand.u32 $0x4000, s31;
	s1 =	sadd.s32 s1, s30  }
0x32: {  	s0 =	sor.u32 s3, s0;
	s1 =	sshll.u32 s1, $0x11  }
0x33: {  	s0 =	sor.u32 s1, s0  }
0x34: {  	s0 =	sadd.s32 $0x8F2B, s0  }
0x35: {  	[sflag:s0] =	ssyncadd.remote.s32 $0x1  }
0x36: {  	_ =	sfence.sel $0xFFFF  }
0x37: {  	[dreg:$0x0] =	wrdreg $0xFFFFFFFF;
	(pc) =	sbr.abs _section_cstart, $3  }
0x38: {  	[dreg:$0x1] =	wrdreg $0xFFFFFFFF  }
0x39: {  	_ =	task.clear_ibuf [dreg:s7], $0x2FFFF;
	_ =	strace $0x9FFFFFFF  }
0x3a: {  	(tm) =	ssettm $0x7FFFFFFF  }
0x3b: {  	_ =	shalt  }
tec
execute0_lowered:
.L_overlay_start_1:
0x0: {  	(tag) =	ssettag $0x1  }
0x1: {  	s0 =	srdreg.scid  }
0x2: {  	s1 =	sshll.u32 s0, $0x4  }
0x3: {  	s0 =	stileid.u32;
	s1 =	sand.u32 $0x10, s1  }
0x4: {  	s7 =	rddreg [dreg:$0x0];
	s1 =	sor.u32 s0, s1  }
0x5: {  	s4 =	simm.s32 $0x1;
	s8 =	simm.s32 $0x2;
	s2 =	sshll.u32 s1, $0x7  }
0x6: {  	s13 =	simm.s32 $0x0;
	s9 =	simm.s32 $0x20000;
	s1 =	ssub.s32 $0x4000, s2  }
0x7: {  	s14 =	simm.s32 $0x0;
	s11 =	simm.s32 $0x0;
	s3 =	sand.u32 $0xF80, s1  }
0x8: {  	s12 =	simm.s32 $0x0;
	s5 =	sshrl.u32 s1, $0xC;
	p0 =	sne.s32 s3, $0x0  }
.Ltmp0:
0x9: {  	s1 =	rddreg [dreg:$0x2];
	s4 =	simm.s32 @!p0 $0x0;
	(pc) =	sbr.rel .LBB1_1-.Ltmp0, $4  }
0xa: {  	s6 =	sadd.s32 $0xA00, s7;
	s3 =	rddreg [dreg:$0x1];
	s5 =	sadd.s32 s4, s5  }
0xb: {  	_ =	strace $0x8000004A;
	s4 =	simm.s32 $0x1;
	s5 =	smul.u32 $0x19, s5  }
0xc: {  	s7 =	sadd.s32 $0x40A00, s7;
	s10 =	smov.u32 s2;
	[sflag:s4] =	ssyncpa.u1 $0x0  }
0xd: {  	p0 =	por $0x0, $0x0;
	[sflag:s8] =	ssyncpa.u1 $0x0;
	s8 =	sadd.s32 $0x1, s5  }
.LBB1_7:
0xe: {  	s15 =	sadd.s32 $0x1000, s10  }
0xf: {  	s13 =	sadd.s32 $0x2, s11;
	s17 =	smov.u32 s11;
	p2 =	sgt.s32 s15, $0x3FFF  }
0x10: {  	s17 =	smov.u32 @p2 s13  }
0x11: {  	s15 =	smov.u32 @p2 s2;
	p2 =	sgt.s32 s17, $0x31  }
0x12: {  	s17 =	simm.s32 @p2 $0x0;
	p2 =	sne.s32 s12, s8  }
.Ltmp1:
0x13: {  	p1 =	slt.u32 s12, $0x2;
	(pc) =	sbr.rel @!p2 .LBB1_8-.Ltmp1, $4  }
0x14: {  	s16 =	simm.s32 @!p1 $0x2  }
0x15: {  	s14 =	smov.u32 s11;
	p0 =	por !p0, !p0;
	_ =	swait.ge @!p1 [sflag:s16], $0x4000  }
0x16: {  	s13 =	smov.u32 s10;
	[sflag:s16] =	ssyncset.done @!p1 $0x0;
	s10 =	smov.u32 s15  }
0x17: {  	s12 =	sadd.s32 $0x1, s12;
	[sflag:s16] =	ssyncadd.s32 @!p1 $0xFFFFC000;
	s11 =	smov.u32 s17  }
.LBB1_1:
0x18: {  	p1 =	sge.u32 s12, s5  }
0x19: {  	s15 =	sxor.u32 @!p1 $0xFFFFFFFF, s12;
	s16 =	sshll.u32 @!p1 s11, $0x12  }
0x1a: {  	s17 =	sshll.u32 @!p1 s10, $0x4;
	s19 =	simm.s32 @!p1 $0x40;
	s20 =	simm.s32 @!p1 $0x80  }
0x1b: {  	s15 =	sshll.u32 @!p1 s15, $0xE;
	s17 =	sand.u32 @!p1 $0x3FFF0, s17;
	s18 =	sadd.s32 @!p1 s6, s16  }
0x1c: {  	s16 =	sadd.s32 @!p1 s16, s7;
	s15 =	sand.u32 @!p1 $0x4000, s15;
	s18 =	sadd.s32 @!p1 s17, s18  }
0x1d: {  	[tilespmem:s15], [sflag:$0x1] =	stream.strided.gather @!p1 [hbm4b:s18+s19], $0x2000, s20, s19, $0x38;
	[tilespmem:$0x10100] =	vst v63  }
0x1e: {  	s31 =	sadd.s32 $0xFFFFFFFF, s12;
	s16 =	sadd.s32 @!p1 s17, s16;
	s15 =	sor.u32 @!p1 $0x2000, s15  }
0x1f: {  	[tilespmem:s15], [sflag:$0x1] =	stream.strided.gather @!p1 [hbm4b:s16+s19], $0x2000, s20, s19, $0x38;
	[tilespmem:$0x10100] =	vst v63  }
0x20: {  	p1 =	sge.u32 s31, s5  }
.Ltmp2:
0x21: {  	_ = 	snop;
	(pc) =	sbr.rel @p1 .LBB1_7-.Ltmp2, $1  }
0x22: {  	_ =	sdelay $0x3  }
0x23: {  	s15 =	simm.s32 $0x1;
	s17 =	sand.u32 $0x1, s12  }
0x24: {  	_ =	swait.ge [sflag:s4], $0x4000;
	s15 =	simm.s32 @!p0 $0x0;
	s17 =	smul.u32 $0x10200, s17  }
0x25: {  	p2 =	por $0x1, $0x1;
	[sflag:s4] =	ssyncset.done $0x0;
	s16 =	smul.u32 $0x10200, s15  }
0x26: {  	s18 =	sshll.u32 s15, $0x10;
	[sflag:s4] =	ssyncadd.s32 $0xFFFFC000;
	s30 =	sshrl.u32 s17, $0x2  }
0x27: {  	s31 =	sshrl.u32 s18, $0x2;
	s18 =	simm.s32 $0x0;
	s16 =	sshrl.u32 s16, $0x2  }
0x28: {  	s15 =	sor.u32 $0x8000, s30;
	s17 =	sadd.s32 $0x20, s31;
	s16 =	sor.u32 $0x8000, s16  }
.LBB1_3:
0x29: {  	s19 =	sshll.u32 s18, $0xD  }
0x2a: {  	s19 =	sand.u32 $0x3FFFE000, s19  }
0x2b: {  	s21 =	sadd.s32 s19, s17  }
0x2c: {  	s31 =	smul.u32 $0x8100, s18;
	v3 =	vld [tilespmem:s21+$0x10]  }
0x2d: {  	v1 =	vld [tilespmem:s21+$0xFFFFFFF0]  }
0x2e: {  	s18 =	sshra.s32 s31, $0x2;
	v0 =	vld [tilespmem:s21+$0x0]  }
0x2f: {  	s18 =	sadd.s32 s18, s16;
	v2 =	vld [tilespmem:s21+$0xFFFFFFE0]  }
0x30: {  	s19 =	sadd.s32 $0x0, s18  }
0x31: {  	p1 =	por p2, p2;
	s20 =	simm.s32 $0x4;
	s21 =	sadd.s32 $0x40, s21;
	[tilespmem:s19+$0x1830 ss:$0x81] =	vst.msk $0xffff, v3  }
.LBB1_4:
0x32: {  	v3 =	vld [tilespmem:s21+$0x10];
	p2 =	sne.s32 s20, $0x1FC;
	[tilespmem:s19+$0x810 ss:$0x81] =	vst.msk $0xffff, v1;
	s22 =	smov.u32 s20;
	s20 =	sadd.s32 $0x4, s20  }
.Ltmp3:
0x33: {  	v1 =	vld [tilespmem:s21+$0xFFFFFFF0];
	[tilespmem:s19+$0x1020 ss:$0x81] =	vst.msk $0xffff, v0;
	(pc) =	sbr.rel @p2 .LBB1_4-.Ltmp3, $4  }
0x34: {  	v0 =	vld [tilespmem:s21+$0x0];
	[tilespmem:s19+$0x0 ss:$0x81] =	vst.msk $0xffff, v2  }
0x35: {  	s19 =	sshra.s32 s22, $0x2;
	v2 =	vld [tilespmem:s21+$0xFFFFFFE0]  }
0x36: {  	s19 =	sadd.s32 s19, s18  }
0x37: {  	s21 =	sadd.s32 $0x40, s21;
	[tilespmem:s19+$0x1830 ss:$0x81] =	vst.msk $0xffff, v3  }
.Ltmp4:
0x38: {  	(pc) =	sbr.rel @p1 .LBB1_3-.Ltmp4, $4  }
0x39: {  	_ = 	snop  }
0x3a: {  	[tilespmem:s19+$0x810 ss:$0x81] =	vst.msk $0xffff, v1  }
0x3b: {  	[tilespmem:s19+$0x1020 ss:$0x81] =	vst.msk $0xffff, v0  }
0x3c: {  	s18 =	simm.s32 $0x1;
	p2 =	por $0x0, $0x0;
	[tilespmem:s19+$0x0 ss:$0x81] =	vst.msk $0xffff, v2  }
0x3d: {  	s16 =	sshll.u32 s13, $0x3;
	s17 =	sand.u32 $0x78, s13;
	s14 =	sshll.u32 s14, $0x11  }
.Ltmp5:
0x3e: {  	s30 =	sand.u32 $0x1F800, s13;
	s16 =	sand.u32 $0x3C00, s16;
	(pc) =	sbr.rel .LBB1_7-.Ltmp5, $4  }
0x3f: {  	s31 =	sand.u32 $0x7, s13;
	s14 =	sadd.s32 s3, s14;
	s16 =	sor.u32 s17, s16  }
0x40: {  	s13 =	sshll.u32 s31, $0x12;
	s14 =	sadd.s32 s30, s14;
	s16 =	sshrl.u32 s16, $0x3  }
0x41: {  	s13 =	sor.u32 $0x400, s13;
	s14 =	sadd.s32 s16, s14  }
0x42: {  	[hbm4b:s14+s13] =	stream.strided.scatter [tilespmem:s15], [sflag:$0x2], $0x4000, s9, s13, $0x20;
	[tilespmem:$0x10100] =	vst v63  }
.LBB1_8:
0x43: {  	_ =	sfence.sel $0x180000  }
0x44: {  	s2 =	simm.s32 $0x1;
	[bflag:$0x0] =	sbarrier.arrive $0xFFFF  }
0x45: {  	s31 =	simm.s32 $0x2;
	[sflag:s2] =	ssyncpa.u1 $0x1  }
0x46: {  	[sflag:s31] =	ssyncpa.u1 $0x1  }
0x47: {  	p0 =	sne.s32 s0, $0x0;
	_ =	strace $0x9000004A  }
0x48: {  	s0 =	sadd.s32 @!p0 $0x100000, s1;
	[bflag:$0x2] =	sbarrier.arrive $0xFFFF  }
0x49: {  	[sflag:s0] =	ssyncadd.tile.s32 @!p0 $0x1;
	_ =	shalt  }
.Lfunc_end1:
_tile_overlayer_lowered:
.L_overlay_start_2:
0x4a: {  	(tag) =	ssettag $0x2  }
0x4b: {  	s0 =	rddreg [dreg:$0x0];
	s2 =	stileid.u32  }
0x4c: {  	s1 =	rddreg [dreg:$0x1];
	p0 =	sne.s32 s2, $0x0  }
0x4d: {  	s3 =	rddreg [dreg:$0x2];
	[bflag:$0x3] =	sbarrier.arrive $0xFFFF;
	s2 =	simm.s32 @!p0 $0x1C01  }
0x4e: {  	[timem:s3], [sflag:s2] =	dma.local @!p0 [hbm:s0], s1  }
0x4f: {  	s0 =	simm.s32 @!p0 $0x1  }
0x50: {  	_ =	swait.ge @!p0 [sflag:s0], s1  }
0x51: {  	s1 =	ssub.s32 @!p0 $0x0, s1;
	[sflag:s0] =	ssyncset.done @!p0 $0x0  }
0x52: {  	[sflag:s0] =	ssyncadd.s32 @!p0 s1  }
0x53: {  	[bflag:$0x3] =	sbarrier.arrive $0xFFFF  }
0x54: {  	_ =	shalt  }

</sc_bundles>
